<compile_context>
chip_gen: v7x
topology: tpu7x:2x2x1
jax: 0.10.2.dev20260603
libtpu: 0.0.44.dev20260713+nightly
codegen_flags: <defaults>
</compile_context>

<pallas_src>
import functools

import jax
import jax.numpy as jnp
from jax import lax
from jax.experimental import pallas as pl
from jax.experimental.pallas import tpu as pltpu
from jax.experimental.pallas import tpu_sc as plsc

NSTATES = 32
HID = 64
NTOT = 1048576
NC = 2
NS = 16
L = 16
NW = NC * NS
PER_W = NTOT // NW
NVEC = PER_W // L
ROWS = NSTATES + 2
UNROLL = 8

NCH = 8
CHN = PER_W // NCH
CVEC = CHN // L


@functools.cache
def _build_sc_partials():
    mesh = plsc.VectorSubcoreMesh(
        core_axis_name="c", subcore_axis_name="s",
        num_cores=NC, num_subcores=NS)

    @functools.partial(
        pl.kernel,
        out_type=jax.ShapeDtypeStruct((NW, ROWS, L), jnp.float32),
        mesh=mesh,
        scratch_types=[
            pltpu.VMEM((PER_W,), jnp.int32),
            pltpu.VMEM((PER_W,), jnp.float32),
            pltpu.VMEM((ROWS, L), jnp.float32),
            pltpu.SemaphoreType.DMA,
            pltpu.SemaphoreType.DMA,
        ],
        compiler_params=pltpu.CompilerParams(needs_layout_passes=False),
    )
    def _sc_partials(states_hbm, phases_hbm, out_hbm, st_v, ph_v, blk_v,
                     sem0, sem1):
        c = lax.axis_index("c")
        s = lax.axis_index("s")
        w = s * NC + c
        base = w * PER_W
        d_st = pltpu.async_copy(
            states_hbm.at[pl.ds(base, PER_W)], st_v, sem0)
        d_ph = pltpu.async_copy(
            phases_hbm.at[pl.ds(base, PER_W)], ph_v, sem1)

        zero = jnp.zeros((L,), jnp.float32)
        for r in range(ROWS):
            blk_v[r] = zero
        lanes = lax.broadcasted_iota(jnp.int32, (L,), 0)
        ones = jnp.ones((L,), jnp.float32)

        d_st.wait()

        def hist_body(i):
            sv = st_v[pl.ds(i * L, L)]
            plsc.addupdate_scatter(blk_v, [sv, lanes], ones)

        plsc.parallel_loop(0, NVEC, 1, unroll=UNROLL)(hist_body)

        d_ph.wait()

        def mom_body(i, cr):
            a1, a2 = cr
            pv = ph_v[pl.ds(i * L, L)]
            return (a1 + pv, a2 + pv * pv)

        a1, a2 = plsc.parallel_loop(
            0, NVEC, 1, unroll=UNROLL, carry=(zero, zero))(mom_body)
        blk_v[NSTATES] = a1
        blk_v[NSTATES + 1] = a2

        pltpu.sync_copy(blk_v, out_hbm.at[w])

    return _sc_partials



def _poly(t, coeffs):
    acc = jnp.float32(coeffs[-1])
    for c in coeffs[-2::-1]:
        acc = acc * t + jnp.float32(c)
    return acc


_I0_SMALL = (1.0, 3.5156229, 3.0899424, 1.2067492, 0.2659732,
             0.0360768, 0.0045813)
_I0_LARGE = (0.39894228, 0.01328592, 0.00225319, -0.00157565, 0.00916281,
             -0.02057706, 0.02635537, -0.01647633, 0.00392377)
_I1_SMALL = (0.5, 0.87890594, 0.51498869, 0.15084934, 0.02658733,
             0.00301532, 0.00032411)
_I1_LARGE = (0.39894228, -0.03988024, -0.00362018, 0.00163801, -0.01031555,
             0.02282967, -0.02895312, 0.01787654, -0.00420059)


def _i0e(x):
    xs = jnp.minimum(x, 3.75)
    xl = jnp.maximum(x, 3.75)
    small = _poly((xs / 3.75) ** 2, _I0_SMALL) * jnp.exp(-xs)
    large = _poly(3.75 / xl, _I0_LARGE) / jnp.sqrt(xl)
    return jnp.where(x < 3.75, small, large)


def _i1e(x):
    xs = jnp.minimum(x, 3.75)
    xl = jnp.maximum(x, 3.75)
    small = xs * _poly((xs / 3.75) ** 2, _I1_SMALL) * jnp.exp(-xs)
    large = _poly(3.75 / xl, _I1_LARGE) / jnp.sqrt(xl)
    return jnp.where(x < 3.75, small, large)


def _log_i0e(x):
    return jnp.log(_i0e(x))


LOG_2PI = 1.8378770664093453
N_POW = float(NTOT) ** (-0.2)


def _tc_tail(red_ref, emb_ref, lng_ref, lnb_ref, w1_ref, b1_ref,
             wk_ref, bk_ref, o_mi, o_hz, o_hphi, o_hcond, o_bdc):
    red = red_ref[...]
    sums = jnp.sum(red, axis=(0, 2))
    counts = sums[:NSTATES]
    s1 = sums[NSTATES]
    s2 = sums[NSTATES + 1]
    n = jnp.float32(NTOT)

    probs = counts / n + 1e-10
    h_z = -jnp.sum(probs * jnp.log(probs))

    var_p = (s2 - s1 * s1 / n) / (n - 1.0)
    std_p = jnp.sqrt(jnp.maximum(var_p, 0.0))
    bw = 1.06 * std_p * N_POW
    kap_kde = jnp.minimum(1.0 / (bw * bw + 1e-6), 100.0)
    h_phi = LOG_2PI + _log_i0e(kap_kde) + kap_kde

    h = emb_ref[...]
    mean = jnp.mean(h, axis=1, keepdims=True)
    var = jnp.mean((h - mean) ** 2, axis=1, keepdims=True)
    h = (h - mean) / jnp.sqrt(var + 1e-5) * lng_ref[...] + lnb_ref[...]
    h = jnp.maximum(h, 0.0)
    h = lax.dot_general(h, w1_ref[...], (((1,), (1,)), ((), ())),
                        preferred_element_type=jnp.float32) + b1_ref[...]
    h = jnp.maximum(h, 0.0)
    kp = lax.dot_general(h, wk_ref[...], (((1,), (1,)), ((), ())),
                         preferred_element_type=jnp.float32)[:, 0] + bk_ref[...]
    kappa = jnp.maximum(kp, 0.0) + jnp.log1p(jnp.exp(-jnp.abs(kp))) + 0.1

    i0e_k = _i0e(kappa)
    ratio = _i1e(kappa) / i0e_k
    h_vm = LOG_2PI + jnp.log(i0e_k) + kappa - kappa * ratio
    h_cond = jnp.sum((counts / n) * h_vm)

    mi = h_phi - h_cond
    bdc = jnp.clip(2.0 * mi / (h_z + h_phi + 1e-12), 0.0, 1.0)

    o_mi[...] = mi
    o_hz[...] = h_z
    o_hphi[...] = h_phi
    o_hcond[...] = h_cond
    o_bdc[...] = bdc


def kernel(states, phases, emb, ln_g, ln_b, W1, b1, Wmu, bmu, Wk, bk):
    red = _build_sc_partials()(states, phases)
    scalar = jax.ShapeDtypeStruct((), jnp.float32)
    out = pl.pallas_call(
        _tc_tail,
        out_shape=[scalar] * 5,
        out_specs=[pl.BlockSpec(memory_space=pltpu.SMEM)] * 5,
    )(red, emb, ln_g, ln_b, W1, b1, Wk, bk)
    return tuple(out)

# --- scband reference (transcript-rebuilt; emitter-appended) ---
"""Pipeline reference for scband-corrected-mutual-information-72602127172060 (READ-ONLY COPY).

The authoritative reference and input builder live on the scoring server;
editing this copy changes nothing except your own understanding.
"""

import jax, jax.numpy as jnp
import numpy as np
from jax.scipy.special import i0e, i1e

NUM_STATES = 32
HIDDEN = 64
N = 1048576

def _log_i0(x):
    # log(i0(x)) computed stably via exponentially-scaled bessel: i0(x) = i0e(x) * exp(x)
    return jnp.log(i0e(x)) + x

def setup_inputs(seed: int = 0) -> dict:
    key = jax.random.key(seed)
    ks = jax.random.split(key, 8)
    states = jax.random.randint(ks[0], (N,), 0, NUM_STATES)
    phases = jax.random.normal(ks[1], (N,), dtype=jnp.float32)
    emb = jax.random.normal(ks[2], (NUM_STATES, HIDDEN), dtype=jnp.float32) * 0.02
    ln_g = jnp.ones((HIDDEN,), jnp.float32)
    ln_b = jnp.zeros((HIDDEN,), jnp.float32)
    W1 = jax.random.normal(ks[3], (HIDDEN, HIDDEN), dtype=jnp.float32) * (1.0 / np.sqrt(HIDDEN))
    b1 = jnp.zeros((HIDDEN,), jnp.float32)
    Wmu = jax.random.normal(ks[4], (1, HIDDEN), dtype=jnp.float32) * 0.1
    bmu = jnp.zeros((1,), jnp.float32)
    Wk = jax.random.normal(ks[5], (1, HIDDEN), dtype=jnp.float32) * 0.1
    bk = jnp.zeros((1,), jnp.float32)
    return {"states": states, "phases": phases, "emb": emb, "ln_g": ln_g, "ln_b": ln_b,
            "W1": W1, "b1": b1, "Wmu": Wmu, "bmu": bmu, "Wk": Wk, "bk": bk}

def reference(states, phases, emb, ln_g, ln_b, W1, b1, Wmu, bmu, Wk, bk):
    n = phases.shape[0]
    # histogram over discrete states
    counts = jnp.bincount(states, minlength=NUM_STATES, length=NUM_STATES).astype(jnp.float32)
    state_probs = counts / n + 1e-10
    H_z = -jnp.sum(state_probs * jnp.log(state_probs))
    # KDE-bandwidth based phase entropy (torch uses unbiased std -> ddof=1)
    phase_std = jnp.std(phases, ddof=1)
    bandwidth = 1.06 * phase_std * (n ** (-0.2))
    kappa_kde = jnp.minimum(1.0 / (bandwidth ** 2 + 1e-06), 100.0)
    H_phi = jnp.log(2.0 * jnp.pi) + _log_i0(jnp.minimum(kappa_kde, 100.0))
    # conditional von Mises params for every state (vectorized over state_idx loop)
    h = emb
    mean = jnp.mean(h, axis=-1, keepdims=True)
    var = jnp.var(h, axis=-1, keepdims=True)
    h = (h - mean) / jnp.sqrt(var + 1e-5) * ln_g + ln_b
    h = jax.nn.relu(h)
    h = jax.nn.relu(h @ W1.T + b1)
    mu = jnp.tanh(h @ Wmu.T + bmu) * jnp.pi  # computed as in torch forward (unused in entropy)
    kappa = jax.nn.softplus(h @ Wk.T + bk) + 0.1
    kappa = kappa[:, 0]
    bessel_ratio = i1e(kappa) / i0e(kappa)  # i1(k)/i0(k), exp scaling cancels
    h_vm = jnp.log(2.0 * jnp.pi) + _log_i0(kappa) - kappa * bessel_ratio
    weights = counts / n  # states with zero count contribute zero weight
    H_phi_given_z = jnp.sum(weights * h_vm)
    mi = H_phi - H_phi_given_z
    bdc = jnp.clip(2.0 * mi / (H_z + H_phi + 1e-12), 0.0, 1.0)
    return (mi, H_z, H_phi, H_phi_given_z, bdc)

if __name__ == "__main__":
    import jax
    _d = setup_inputs()
    print(jax.jit(kernel)(*tuple(_d.values())))

</pallas_src>

<mosaic_0001>
#map = affine_map<(d0, d1) -> (0)>
#map1 = affine_map<(d0, d1) -> (0, 0, 0)>
module attributes {stable_mosaic.version = 14 : i64} {
  func.func @_sc_partials(%arg0: i32, %arg1: i32, %arg2: memref<1048576xi32, #tpu.memory_space<hbm>>, %arg3: memref<1048576xf32, #tpu.memory_space<hbm>>, %arg4: memref<32x34x16xf32, #tpu.memory_space<hbm>>, %arg5: memref<32768xi32, #tpu.memory_space<vmem>>, %arg6: memref<32768xf32, #tpu.memory_space<vmem>>, %arg7: memref<34x16xf32, #tpu.memory_space<vmem>>, %arg8: memref<!tpu.dma_semaphore, #tpu.memory_space<semaphore_mem>>, %arg9: memref<!tpu.dma_semaphore, #tpu.memory_space<semaphore_mem>>) attributes {dimension_semantics = [#tpu.dimension_semantics<core_parallel>, #tpu.dimension_semantics<subcore_parallel>], iteration_bounds = array<i64: 2, 16>, scalar_prefetch = 0 : i64, scratch_operands = 5 : i64, tpu.core_type = #tpu.core_type<sc_vector_subcore>, window_params = [{transform_indices = #map}, {transform_indices = #map}, {transform_indices = #map1}]} {
    %mul3A = arith.constant 2 : i32
    %mul3A_0 = arith.muli %arg1, %mul3A : i32
    %add3A = arith.addi %mul3A_0, %arg0 : i32
    %mul3A_1 = arith.constant 32768 : i32
    %mul3A_2 = arith.muli %add3A, %mul3A_1 : i32
    %dma_start3A = tpu.memref_slice %arg2[%mul3A_2] : memref<1048576xi32, #tpu.memory_space<hbm>> -> memref<32768xi32, #tpu.memory_space<hbm>>
    %dma_start3A_3 = tpu.memref_slice %arg2[%mul3A_2] : memref<1048576xi32, #tpu.memory_space<hbm>> -> memref<32768xi32, #tpu.memory_space<hbm>>
    tpu.enqueue_dma source(%dma_start3A_3 : memref<32768xi32, #tpu.memory_space<hbm>>) target(%arg5 : memref<32768xi32, #tpu.memory_space<vmem>>) target_semaphore(%arg8 : memref<!tpu.dma_semaphore, #tpu.memory_space<semaphore_mem>>)
    %dma_start3A_4 = tpu.memref_slice %arg3[%mul3A_2] : memref<1048576xf32, #tpu.memory_space<hbm>> -> memref<32768xf32, #tpu.memory_space<hbm>>
    %dma_start3A_5 = tpu.memref_slice %arg3[%mul3A_2] : memref<1048576xf32, #tpu.memory_space<hbm>> -> memref<32768xf32, #tpu.memory_space<hbm>>
    tpu.enqueue_dma source(%dma_start3A_5 : memref<32768xf32, #tpu.memory_space<hbm>>) target(%arg6 : memref<32768xf32, #tpu.memory_space<vmem>>) target_semaphore(%arg9 : memref<!tpu.dma_semaphore, #tpu.memory_space<semaphore_mem>>)
    %broadcast_in_dim3A = arith.constant 0.000000e+00 : f32
    %broadcast_in_dim3A_6 = vector.broadcast %broadcast_in_dim3A : f32 to vector<16xf32>
    %swap3A = arith.constant 0 : i32
    %swap3A_7 = arith.index_cast %swap3A : i32 to index
    %swap3A_8 = arith.constant 0 : index
    %swap3A_9 = tpu.vector_load %arg7[%swap3A_7, %swap3A_8] {strides = array<i32>} : memref<34x16xf32, #tpu.memory_space<vmem>>, vector<16xf32>,
    tpu.vector_store %arg7[%swap3A_7, %swap3A_8], %broadcast_in_dim3A_6 {strides = array<i32>} : memref<34x16xf32, #tpu.memory_space<vmem>>, vector<16xf32>,
    %swap3A_10 = arith.constant 1 : i32
    %swap3A_11 = arith.index_cast %swap3A_10 : i32 to index
    %swap3A_12 = arith.constant 0 : index
    %swap3A_13 = tpu.vector_load %arg7[%swap3A_11, %swap3A_12] {strides = array<i32>} : memref<34x16xf32, #tpu.memory_space<vmem>>, vector<16xf32>,
    tpu.vector_store %arg7[%swap3A_11, %swap3A_12], %broadcast_in_dim3A_6 {strides = array<i32>} : memref<34x16xf32, #tpu.memory_space<vmem>>, vector<16xf32>,
    %swap3A_14 = arith.constant 2 : i32
    %swap3A_15 = arith.index_cast %swap3A_14 : i32 to index
    %swap3A_16 = arith.constant 0 : index
    %swap3A_17 = tpu.vector_load %arg7[%swap3A_15, %swap3A_16] {strides = array<i32>} : memref<34x16xf32, #tpu.memory_space<vmem>>, vector<16xf32>,
    tpu.vector_store %arg7[%swap3A_15, %swap3A_16], %broadcast_in_dim3A_6 {strides = array<i32>} : memref<34x16xf32, #tpu.memory_space<vmem>>, vector<16xf32>,
    %swap3A_18 = arith.constant 3 : i32
    %swap3A_19 = arith.index_cast %swap3A_18 : i32 to index
    %swap3A_20 = arith.constant 0 : index
    %swap3A_21 = tpu.vector_load %arg7[%swap3A_19, %swap3A_20] {strides = array<i32>} : memref<34x16xf32, #tpu.memory_space<vmem>>, vector<16xf32>,
    tpu.vector_store %arg7[%swap3A_19, %swap3A_20], %broadcast_in_dim3A_6 {strides = array<i32>} : memref<34x16xf32, #tpu.memory_space<vmem>>, vector<16xf32>,
    %swap3A_22 = arith.constant 4 : i32
    %swap3A_23 = arith.index_cast %swap3A_22 : i32 to index
    %swap3A_24 = arith.constant 0 : index
    %swap3A_25 = tpu.vector_load %arg7[%swap3A_23, %swap3A_24] {strides = array<i32>} : memref<34x16xf32, #tpu.memory_space<vmem>>, vector<16xf32>,
    tpu.vector_store %arg7[%swap3A_23, %swap3A_24], %broadcast_in_dim3A_6 {strides = array<i32>} : memref<34x16xf32, #tpu.memory_space<vmem>>, vector<16xf32>,
    %swap3A_26 = arith.constant 5 : i32
    %swap3A_27 = arith.index_cast %swap3A_26 : i32 to index
    %swap3A_28 = arith.constant 0 : index
    %swap3A_29 = tpu.vector_load %arg7[%swap3A_27, %swap3A_28] {strides = array<i32>} : memref<34x16xf32, #tpu.memory_space<vmem>>, vector<16xf32>,
    tpu.vector_store %arg7[%swap3A_27, %swap3A_28], %broadcast_in_dim3A_6 {strides = array<i32>} : memref<34x16xf32, #tpu.memory_space<vmem>>, vector<16xf32>,
    %swap3A_30 = arith.constant 6 : i32
    %swap3A_31 = arith.index_cast %swap3A_30 : i32 to index
    %swap3A_32 = arith.constant 0 : index
    %swap3A_33 = tpu.vector_load %arg7[%swap3A_31, %swap3A_32] {strides = array<i32>} : memref<34x16xf32, #tpu.memory_space<vmem>>, vector<16xf32>,
    tpu.vector_store %arg7[%swap3A_31, %swap3A_32], %broadcast_in_dim3A_6 {strides = array<i32>} : memref<34x16xf32, #tpu.memory_space<vmem>>, vector<16xf32>,
    %swap3A_34 = arith.constant 7 : i32
    %swap3A_35 = arith.index_cast %swap3A_34 : i32 to index
    %swap3A_36 = arith.constant 0 : index
    %swap3A_37 = tpu.vector_load %arg7[%swap3A_35, %swap3A_36] {strides = array<i32>} : memref<34x16xf32, #tpu.memory_space<vmem>>, vector<16xf32>,
    tpu.vector_store %arg7[%swap3A_35, %swap3A_36], %broadcast_in_dim3A_6 {strides = array<i32>} : memref<34x16xf32, #tpu.memory_space<vmem>>, vector<16xf32>,
    %swap3A_38 = arith.constant 8 : i32
    %swap3A_39 = arith.index_cast %swap3A_38 : i32 to index
    %swap3A_40 = arith.constant 0 : index
    %swap3A_41 = tpu.vector_load %arg7[%swap3A_39, %swap3A_40] {strides = array<i32>} : memref<34x16xf32, #tpu.memory_space<vmem>>, vector<16xf32>,
    tpu.vector_store %arg7[%swap3A_39, %swap3A_40], %broadcast_in_dim3A_6 {strides = array<i32>} : memref<34x16xf32, #tpu.memory_space<vmem>>, vector<16xf32>,
    %swap3A_42 = arith.constant 9 : i32
    %swap3A_43 = arith.index_cast %swap3A_42 : i32 to index
    %swap3A_44 = arith.constant 0 : index
    %swap3A_45 = tpu.vector_load %arg7[%swap3A_43, %swap3A_44] {strides = array<i32>} : memref<34x16xf32, #tpu.memory_space<vmem>>, vector<16xf32>,
    tpu.vector_store %arg7[%swap3A_43, %swap3A_44], %broadcast_in_dim3A_6 {strides = array<i32>} : memref<34x16xf32, #tpu.memory_space<vmem>>, vector<16xf32>,
    %swap3A_46 = arith.constant 10 : i32
    %swap3A_47 = arith.index_cast %swap3A_46 : i32 to index
    %swap3A_48 = arith.constant 0 : index
    %swap3A_49 = tpu.vector_load %arg7[%swap3A_47, %swap3A_48] {strides = array<i32>} : memref<34x16xf32, #tpu.memory_space<vmem>>, vector<16xf32>,
    tpu.vector_store %arg7[%swap3A_47, %swap3A_48], %broadcast_in_dim3A_6 {strides = array<i32>} : memref<34x16xf32, #tpu.memory_space<vmem>>, vector<16xf32>,
    %swap3A_50 = arith.constant 11 : i32
    %swap3A_51 = arith.index_cast %swap3A_50 : i32 to index
    %swap3A_52 = arith.constant 0 : index
    %swap3A_53 = tpu.vector_load %arg7[%swap3A_51, %swap3A_52] {strides = array<i32>} : memref<34x16xf32, #tpu.memory_space<vmem>>, vector<16xf32>,
    tpu.vector_store %arg7[%swap3A_51, %swap3A_52], %broadcast_in_dim3A_6 {strides = array<i32>} : memref<34x16xf32, #tpu.memory_space<vmem>>, vector<16xf32>,
    %swap3A_54 = arith.constant 12 : i32
    %swap3A_55 = arith.index_cast %swap3A_54 : i32 to index
    %swap3A_56 = arith.constant 0 : index
    %swap3A_57 = tpu.vector_load %arg7[%swap3A_55, %swap3A_56] {strides = array<i32>} : memref<34x16xf32, #tpu.memory_space<vmem>>, vector<16xf32>,
    tpu.vector_store %arg7[%swap3A_55, %swap3A_56], %broadcast_in_dim3A_6 {strides = array<i32>} : memref<34x16xf32, #tpu.memory_space<vmem>>, vector<16xf32>,
    %swap3A_58 = arith.constant 13 : i32
    %swap3A_59 = arith.index_cast %swap3A_58 : i32 to index
    %swap3A_60 = arith.constant 0 : index
    %swap3A_61 = tpu.vector_load %arg7[%swap3A_59, %swap3A_60] {strides = array<i32>} : memref<34x16xf32, #tpu.memory_space<vmem>>, vector<16xf32>,
    tpu.vector_store %arg7[%swap3A_59, %swap3A_60], %broadcast_in_dim3A_6 {strides = array<i32>} : memref<34x16xf32, #tpu.memory_space<vmem>>, vector<16xf32>,
    %swap3A_62 = arith.constant 14 : i32
    %swap3A_63 = arith.index_cast %swap3A_62 : i32 to index
    %swap3A_64 = arith.constant 0 : index
    %swap3A_65 = tpu.vector_load %arg7[%swap3A_63, %swap3A_64] {strides = array<i32>} : memref<34x16xf32, #tpu.memory_space<vmem>>, vector<16xf32>,
    tpu.vector_store %arg7[%swap3A_63, %swap3A_64], %broadcast_in_dim3A_6 {strides = array<i32>} : memref<34x16xf32, #tpu.memory_space<vmem>>, vector<16xf32>,
    %swap3A_66 = arith.constant 15 : i32
    %swap3A_67 = arith.index_cast %swap3A_66 : i32 to index
    %swap3A_68 = arith.constant 0 : index
    %swap3A_69 = tpu.vector_load %arg7[%swap3A_67, %swap3A_68] {strides = array<i32>} : memref<34x16xf32, #tpu.memory_space<vmem>>, vector<16xf32>,
    tpu.vector_store %arg7[%swap3A_67, %swap3A_68], %broadcast_in_dim3A_6 {strides = array<i32>} : memref<34x16xf32, #tpu.memory_space<vmem>>, vector<16xf32>,
    %swap3A_70 = arith.constant 16 : i32
    %swap3A_71 = arith.index_cast %swap3A_70 : i32 to index
    %swap3A_72 = arith.constant 0 : index
    %swap3A_73 = tpu.vector_load %arg7[%swap3A_71, %swap3A_72] {strides = array<i32>} : memref<34x16xf32, #tpu.memory_space<vmem>>, vector<16xf32>,
    tpu.vector_store %arg7[%swap3A_71, %swap3A_72], %broadcast_in_dim3A_6 {strides = array<i32>} : memref<34x16xf32, #tpu.memory_space<vmem>>, vector<16xf32>,
    %swap3A_74 = arith.constant 17 : i32
    %swap3A_75 = arith.index_cast %swap3A_74 : i32 to index
    %swap3A_76 = arith.constant 0 : index
    %swap3A_77 = tpu.vector_load %arg7[%swap3A_75, %swap3A_76] {strides = array<i32>} : memref<34x16xf32, #tpu.memory_space<vmem>>, vector<16xf32>,
    tpu.vector_store %arg7[%swap3A_75, %swap3A_76], %broadcast_in_dim3A_6 {strides = array<i32>} : memref<34x16xf32, #tpu.memory_space<vmem>>, vector<16xf32>,
    %swap3A_78 = arith.constant 18 : i32
    %swap3A_79 = arith.index_cast %swap3A_78 : i32 to index
    %swap3A_80 = arith.constant 0 : index
    %swap3A_81 = tpu.vector_load %arg7[%swap3A_79, %swap3A_80] {strides = array<i32>} : memref<34x16xf32, #tpu.memory_space<vmem>>, vector<16xf32>,
    tpu.vector_store %arg7[%swap3A_79, %swap3A_80], %broadcast_in_dim3A_6 {strides = array<i32>} : memref<34x16xf32, #tpu.memory_space<vmem>>, vector<16xf32>,
    %swap3A_82 = arith.constant 19 : i32
    %swap3A_83 = arith.index_cast %swap3A_82 : i32 to index
    %swap3A_84 = arith.constant 0 : index
    %swap3A_85 = tpu.vector_load %arg7[%swap3A_83, %swap3A_84] {strides = array<i32>} : memref<34x16xf32, #tpu.memory_space<vmem>>, vector<16xf32>,
    tpu.vector_store %arg7[%swap3A_83, %swap3A_84], %broadcast_in_dim3A_6 {strides = array<i32>} : memref<34x16xf32, #tpu.memory_space<vmem>>, vector<16xf32>,
    %swap3A_86 = arith.constant 20 : i32
    %swap3A_87 = arith.index_cast %swap3A_86 : i32 to index
    %swap3A_88 = arith.constant 0 : index
    %swap3A_89 = tpu.vector_load %arg7[%swap3A_87, %swap3A_88] {strides = array<i32>} : memref<34x16xf32, #tpu.memory_space<vmem>>, vector<16xf32>,
    tpu.vector_store %arg7[%swap3A_87, %swap3A_88], %broadcast_in_dim3A_6 {strides = array<i32>} : memref<34x16xf32, #tpu.memory_space<vmem>>, vector<16xf32>,
    %swap3A_90 = arith.constant 21 : i32
    %swap3A_91 = arith.index_cast %swap3A_90 : i32 to index
    %swap3A_92 = arith.constant 0 : index
    %swap3A_93 = tpu.vector_load %arg7[%swap3A_91, %swap3A_92] {strides = array<i32>} : memref<34x16xf32, #tpu.memory_space<vmem>>, vector<16xf32>,
    tpu.vector_store %arg7[%swap3A_91, %swap3A_92], %broadcast_in_dim3A_6 {strides = array<i32>} : memref<34x16xf32, #tpu.memory_space<vmem>>, vector<16xf32>,
    %swap3A_94 = arith.constant 22 : i32
    %swap3A_95 = arith.index_cast %swap3A_94 : i32 to index
    %swap3A_96 = arith.constant 0 : index
    %swap3A_97 = tpu.vector_load %arg7[%swap3A_95, %swap3A_96] {strides = array<i32>} : memref<34x16xf32, #tpu.memory_space<vmem>>, vector<16xf32>,
    tpu.vector_store %arg7[%swap3A_95, %swap3A_96], %broadcast_in_dim3A_6 {strides = array<i32>} : memref<34x16xf32, #tpu.memory_space<vmem>>, vector<16xf32>,
    %swap3A_98 = arith.constant 23 : i32
    %swap3A_99 = arith.index_cast %swap3A_98 : i32 to index
    %swap3A_100 = arith.constant 0 : index
    %swap3A_101 = tpu.vector_load %arg7[%swap3A_99, %swap3A_100] {strides = array<i32>} : memref<34x16xf32, #tpu.memory_space<vmem>>, vector<16xf32>,
    tpu.vector_store %arg7[%swap3A_99, %swap3A_100], %broadcast_in_dim3A_6 {strides = array<i32>} : memref<34x16xf32, #tpu.memory_space<vmem>>, vector<16xf32>,
    %swap3A_102 = arith.constant 24 : i32
    %swap3A_103 = arith.index_cast %swap3A_102 : i32 to index
    %swap3A_104 = arith.constant 0 : index
    %swap3A_105 = tpu.vector_load %arg7[%swap3A_103, %swap3A_104] {strides = array<i32>} : memref<34x16xf32, #tpu.memory_space<vmem>>, vector<16xf32>,
    tpu.vector_store %arg7[%swap3A_103, %swap3A_104], %broadcast_in_dim3A_6 {strides = array<i32>} : memref<34x16xf32, #tpu.memory_space<vmem>>, vector<16xf32>,
    %swap3A_106 = arith.constant 25 : i32
    %swap3A_107 = arith.index_cast %swap3A_106 : i32 to index
    %swap3A_108 = arith.constant 0 : index
    %swap3A_109 = tpu.vector_load %arg7[%swap3A_107, %swap3A_108] {strides = array<i32>} : memref<34x16xf32, #tpu.memory_space<vmem>>, vector<16xf32>,
    tpu.vector_store %arg7[%swap3A_107, %swap3A_108], %broadcast_in_dim3A_6 {strides = array<i32>} : memref<34x16xf32, #tpu.memory_space<vmem>>, vector<16xf32>,
    %swap3A_110 = arith.constant 26 : i32
    %swap3A_111 = arith.index_cast %swap3A_110 : i32 to index
    %swap3A_112 = arith.constant 0 : index
    %swap3A_113 = tpu.vector_load %arg7[%swap3A_111, %swap3A_112] {strides = array<i32>} : memref<34x16xf32, #tpu.memory_space<vmem>>, vector<16xf32>,
    tpu.vector_store %arg7[%swap3A_111, %swap3A_112], %broadcast_in_dim3A_6 {strides = array<i32>} : memref<34x16xf32, #tpu.memory_space<vmem>>, vector<16xf32>,
    %swap3A_114 = arith.constant 27 : i32
    %swap3A_115 = arith.index_cast %swap3A_114 : i32 to index
    %swap3A_116 = arith.constant 0 : index
    %swap3A_117 = tpu.vector_load %arg7[%swap3A_115, %swap3A_116] {strides = array<i32>} : memref<34x16xf32, #tpu.memory_space<vmem>>, vector<16xf32>,
    tpu.vector_store %arg7[%swap3A_115, %swap3A_116], %broadcast_in_dim3A_6 {strides = array<i32>} : memref<34x16xf32, #tpu.memory_space<vmem>>, vector<16xf32>,
    %swap3A_118 = arith.constant 28 : i32
    %swap3A_119 = arith.index_cast %swap3A_118 : i32 to index
    %swap3A_120 = arith.constant 0 : index
    %swap3A_121 = tpu.vector_load %arg7[%swap3A_119, %swap3A_120] {strides = array<i32>} : memref<34x16xf32, #tpu.memory_space<vmem>>, vector<16xf32>,
    tpu.vector_store %arg7[%swap3A_119, %swap3A_120], %broadcast_in_dim3A_6 {strides = array<i32>} : memref<34x16xf32, #tpu.memory_space<vmem>>, vector<16xf32>,
    %swap3A_122 = arith.constant 29 : i32
    %swap3A_123 = arith.index_cast %swap3A_122 : i32 to index
    %swap3A_124 = arith.constant 0 : index
    %swap3A_125 = tpu.vector_load %arg7[%swap3A_123, %swap3A_124] {strides = array<i32>} : memref<34x16xf32, #tpu.memory_space<vmem>>, vector<16xf32>,
    tpu.vector_store %arg7[%swap3A_123, %swap3A_124], %broadcast_in_dim3A_6 {strides = array<i32>} : memref<34x16xf32, #tpu.memory_space<vmem>>, vector<16xf32>,
    %swap3A_126 = arith.constant 30 : i32
    %swap3A_127 = arith.index_cast %swap3A_126 : i32 to index
    %swap3A_128 = arith.constant 0 : index
    %swap3A_129 = tpu.vector_load %arg7[%swap3A_127, %swap3A_128] {strides = array<i32>} : memref<34x16xf32, #tpu.memory_space<vmem>>, vector<16xf32>,
    tpu.vector_store %arg7[%swap3A_127, %swap3A_128], %broadcast_in_dim3A_6 {strides = array<i32>} : memref<34x16xf32, #tpu.memory_space<vmem>>, vector<16xf32>,
    %swap3A_130 = arith.constant 31 : i32
    %swap3A_131 = arith.index_cast %swap3A_130 : i32 to index
    %swap3A_132 = arith.constant 0 : index
    %swap3A_133 = tpu.vector_load %arg7[%swap3A_131, %swap3A_132] {strides = array<i32>} : memref<34x16xf32, #tpu.memory_space<vmem>>, vector<16xf32>,
    tpu.vector_store %arg7[%swap3A_131, %swap3A_132], %broadcast_in_dim3A_6 {strides = array<i32>} : memref<34x16xf32, #tpu.memory_space<vmem>>, vector<16xf32>,
    %swap3A_134 = arith.constant 32 : i32
    %swap3A_135 = arith.index_cast %swap3A_134 : i32 to index
    %swap3A_136 = arith.constant 0 : index
    %swap3A_137 = tpu.vector_load %arg7[%swap3A_135, %swap3A_136] {strides = array<i32>} : memref<34x16xf32, #tpu.memory_space<vmem>>, vector<16xf32>,
    tpu.vector_store %arg7[%swap3A_135, %swap3A_136], %broadcast_in_dim3A_6 {strides = array<i32>} : memref<34x16xf32, #tpu.memory_space<vmem>>, vector<16xf32>,
    %swap3A_138 = arith.constant 33 : i32
    %swap3A_139 = arith.index_cast %swap3A_138 : i32 to index
    %swap3A_140 = arith.constant 0 : index
    %swap3A_141 = tpu.vector_load %arg7[%swap3A_139, %swap3A_140] {strides = array<i32>} : memref<34x16xf32, #tpu.memory_space<vmem>>, vector<16xf32>,
    tpu.vector_store %arg7[%swap3A_139, %swap3A_140], %broadcast_in_dim3A_6 {strides = array<i32>} : memref<34x16xf32, #tpu.memory_space<vmem>>, vector<16xf32>,
    %iota3A = tpu.iota {dimensions = array<i32: 0>} : vector<16xi32>
    %broadcast_in_dim3A_142 = arith.constant 1.000000e+00 : f32
    %broadcast_in_dim3A_143 = vector.broadcast %broadcast_in_dim3A_142 : f32 to vector<16xf32>
    %dma_wait3A = tpu.memref_slice %arg2[%mul3A_2] : memref<1048576xi32, #tpu.memory_space<hbm>> -> memref<32768xi32, #tpu.memory_space<hbm>>
    %dma_wait3A_144 = tpu.memref_slice %arg2[%mul3A_2] : memref<1048576xi32, #tpu.memory_space<hbm>> -> memref<32768xi32, #tpu.memory_space<hbm>>
    tpu.wait_dma2 semaphore(%arg8 : memref<!tpu.dma_semaphore, #tpu.memory_space<semaphore_mem>>) src(%dma_wait3A_144 : memref<32768xi32, #tpu.memory_space<hbm>>) dst(%arg5 : memref<32768xi32, #tpu.memory_space<vmem>>)
    %parallel_loop3A = arith.constant 0 : i32
    %parallel_loop3A_145 = arith.constant 2048 : i32
    %parallel_loop3A_146 = arith.constant 1 : i32
    scf.for %parallel_loop3A_161 = %parallel_loop3A to %parallel_loop3A_145 step %parallel_loop3A_146  : i32 {
      %parallel_loop3A_162 = arith.constant 16 : i32
      %parallel_loop3A_163 = arith.muli %parallel_loop3A_161, %parallel_loop3A_162 : i32
      %parallel_loop3A_164 = arith.index_cast %parallel_loop3A_163 : i32 to index
      %parallel_loop3A_165 = tpu.vector_load %arg5[%parallel_loop3A_164] {strides = array<i32>} : memref<32768xi32, #tpu.memory_space<vmem>>, vector<16xi32>,
      tpu.vector_store_idx %arg7[%parallel_loop3A_165, %iota3A], %broadcast_in_dim3A_143 {add = true} : memref<34x16xf32, #tpu.memory_space<vmem>>[vector<16xi32>, vector<16xi32>], vector<16xf32>,
    } {sc.loop_unroll_factor = 8 : i64, sc.parallel_access}
    %dma_wait3A_147 = tpu.memref_slice %arg3[%mul3A_2] : memref<1048576xf32, #tpu.memory_space<hbm>> -> memref<32768xf32, #tpu.memory_space<hbm>>
    %dma_wait3A_148 = tpu.memref_slice %arg3[%mul3A_2] : memref<1048576xf32, #tpu.memory_space<hbm>> -> memref<32768xf32, #tpu.memory_space<hbm>>
    tpu.wait_dma2 semaphore(%arg9 : memref<!tpu.dma_semaphore, #tpu.memory_space<semaphore_mem>>) src(%dma_wait3A_148 : memref<32768xf32, #tpu.memory_space<hbm>>) dst(%arg6 : memref<32768xf32, #tpu.memory_space<vmem>>)
    %parallel_loop3A_149 = arith.constant 0 : i32
    %parallel_loop3A_150 = arith.constant 2048 : i32
    %parallel_loop3A_151 = arith.constant 1 : i32
    %parallel_loop3A_152:2 = scf.for %parallel_loop3A_161 = %parallel_loop3A_149 to %parallel_loop3A_150 step %parallel_loop3A_151 iter_args(%parallel_loop3A_162 = %broadcast_in_dim3A_6, %parallel_loop3A_163 = %broadcast_in_dim3A_6) -> (vector<16xf32>, vector<16xf32>)  : i32 {
      %parallel_loop3A_164 = arith.constant 16 : i32
      %parallel_loop3A_165 = arith.muli %parallel_loop3A_161, %parallel_loop3A_164 : i32
      %parallel_loop3A_166 = arith.index_cast %parallel_loop3A_165 : i32 to index
      %parallel_loop3A_167 = tpu.vector_load %arg6[%parallel_loop3A_166] {strides = array<i32>} : memref<32768xf32, #tpu.memory_space<vmem>>, vector<16xf32>,
      %parallel_loop3A_168 = arith.addf %parallel_loop3A_162, %parallel_loop3A_167 : vector<16xf32>
      %parallel_loop3A_169 = arith.mulf %parallel_loop3A_167, %parallel_loop3A_167 : vector<16xf32>
      %parallel_loop3A_170 = arith.addf %parallel_loop3A_163, %parallel_loop3A_169 : vector<16xf32>
      scf.yield %parallel_loop3A_168, %parallel_loop3A_170 : vector<16xf32>, vector<16xf32>
    } {sc.loop_unroll_factor = 8 : i64, sc.parallel_access}
    %swap3A_153 = arith.constant 32 : i32
    %swap3A_154 = arith.index_cast %swap3A_153 : i32 to index
    %swap3A_155 = arith.constant 0 : index
    %swap3A_156 = tpu.vector_load %arg7[%swap3A_154, %swap3A_155] {strides = array<i32>} : memref<34x16xf32, #tpu.memory_space<vmem>>, vector<16xf32>,
    tpu.vector_store %arg7[%swap3A_154, %swap3A_155], %parallel_loop3A_152#0 {strides = array<i32>} : memref<34x16xf32, #tpu.memory_space<vmem>>, vector<16xf32>,
    %swap3A_157 = arith.constant 33 : i32
    %swap3A_158 = arith.index_cast %swap3A_157 : i32 to index
    %swap3A_159 = arith.constant 0 : index
    %swap3A_160 = tpu.vector_load %arg7[%swap3A_158, %swap3A_159] {strides = array<i32>} : memref<34x16xf32, #tpu.memory_space<vmem>>, vector<16xf32>,
    tpu.vector_store %arg7[%swap3A_158, %swap3A_159], %parallel_loop3A_152#1 {strides = array<i32>} : memref<34x16xf32, #tpu.memory_space<vmem>>, vector<16xf32>,
    "tpu.region"() ({
      %run_scoped3A = tpu.sem_alloc : memref<!tpu.dma_semaphore, #tpu.memory_space<semaphore_mem>>
      %dma_start3A_161 = arith.constant 0 : i32
      %dma_start3A_162 = arith.constant 0 : i32
      %dma_start3A_163 = tpu.memref_slice %arg4[%add3A, %dma_start3A_161, %dma_start3A_162] : memref<32x34x16xf32, #tpu.memory_space<hbm>> -> memref<1x34x16xf32, #tpu.memory_space<hbm>>
      %dma_start3A_164 = tpu.memref_squeeze %dma_start3A_163 : memref<1x34x16xf32, #tpu.memory_space<hbm>> -> memref<34x16xf32, #tpu.memory_space<hbm>>
      %dma_start3A_165 = arith.constant 0 : i32
      %dma_start3A_166 = arith.constant 0 : i32
      %dma_start3A_167 = tpu.memref_slice %arg4[%add3A, %dma_start3A_165, %dma_start3A_166] : memref<32x34x16xf32, #tpu.memory_space<hbm>> -> memref<1x34x16xf32, #tpu.memory_space<hbm>>
      %dma_start3A_168 = tpu.memref_squeeze %dma_start3A_167 : memref<1x34x16xf32, #tpu.memory_space<hbm>> -> memref<34x16xf32, #tpu.memory_space<hbm>>
      tpu.enqueue_dma source(%arg7 : memref<34x16xf32, #tpu.memory_space<vmem>>) target(%dma_start3A_168 : memref<34x16xf32, #tpu.memory_space<hbm>>) target_semaphore(%run_scoped3A : memref<!tpu.dma_semaphore, #tpu.memory_space<semaphore_mem>>)
      %dma_wait3A_169 = arith.constant 0 : i32
      %dma_wait3A_170 = arith.constant 0 : i32
      %dma_wait3A_171 = tpu.memref_slice %arg4[%add3A, %dma_wait3A_169, %dma_wait3A_170] : memref<32x34x16xf32, #tpu.memory_space<hbm>> -> memref<1x34x16xf32, #tpu.memory_space<hbm>>
      %dma_wait3A_172 = tpu.memref_squeeze %dma_wait3A_171 : memref<1x34x16xf32, #tpu.memory_space<hbm>> -> memref<34x16xf32, #tpu.memory_space<hbm>>
      %dma_wait3A_173 = arith.constant 0 : i32
      %dma_wait3A_174 = arith.constant 0 : i32
      %dma_wait3A_175 = tpu.memref_slice %arg4[%add3A, %dma_wait3A_173, %dma_wait3A_174] : memref<32x34x16xf32, #tpu.memory_space<hbm>> -> memref<1x34x16xf32, #tpu.memory_space<hbm>>
      %dma_wait3A_176 = tpu.memref_squeeze %dma_wait3A_175 : memref<1x34x16xf32, #tpu.memory_space<hbm>> -> memref<34x16xf32, #tpu.memory_space<hbm>>
      tpu.wait_dma2 semaphore(%run_scoped3A : memref<!tpu.dma_semaphore, #tpu.memory_space<semaphore_mem>>) src(%arg7 : memref<34x16xf32, #tpu.memory_space<vmem>>) dst(%dma_wait3A_176 : memref<34x16xf32, #tpu.memory_space<hbm>>)
      tpu.yield
    }) : () -> ()
    return
  }
}

module attributes {stable_mosaic.version = 14 : i64} {
  func.func @_tc_tail(%arg0: memref<32x34x16xf32, #tpu.memory_space<vmem>>, %arg1: memref<32x64xf32, #tpu.memory_space<vmem>>, %arg2: memref<64xf32, #tpu.memory_space<vmem>>, %arg3: memref<64xf32, #tpu.memory_space<vmem>>, %arg4: memref<64x64xf32, #tpu.memory_space<vmem>>, %arg5: memref<64xf32, #tpu.memory_space<vmem>>, %arg6: memref<1x64xf32, #tpu.memory_space<vmem>>, %arg7: memref<1xf32, #tpu.memory_space<vmem>>, %arg8: memref<f32, #tpu.memory_space<smem>>, %arg9: memref<f32, #tpu.memory_space<smem>>, %arg10: memref<f32, #tpu.memory_space<smem>>, %arg11: memref<f32, #tpu.memory_space<smem>>, %arg12: memref<f32, #tpu.memory_space<smem>>) attributes {dimension_semantics = [], scalar_prefetch = 0 : i64, scratch_operands = 0 : i64, tpu.core_type = #tpu.core_type<tc>} {
    %get3A = arith.constant 0 : index
    %get3A_0 = arith.constant 0 : index
    %get3A_1 = arith.constant 0 : index
    %get3A_2 = vector.load %arg0[%get3A, %get3A_0, %get3A_1] : memref<32x34x16xf32, #tpu.memory_space<vmem>>, vector<32x34x16xf32>
    %reduce_sum3A = arith.constant dense<0.000000e+00> : vector<34xf32>
    %reduce_sum3A_3 = vector.multi_reduction <add>, %get3A_2, %reduce_sum3A [0, 2] : vector<32x34x16xf32> to vector<34xf32>
    %slice3A = vector.extract_strided_slice %reduce_sum3A_3 {offsets = [0], sizes = [32], strides = [1]} : vector<34xf32> to vector<32xf32>
    %slice3A_4 = vector.extract_strided_slice %reduce_sum3A_3 {offsets = [32], sizes = [1], strides = [1]} : vector<34xf32> to vector<1xf32>
    %squeeze3A = vector.extract %slice3A_4[0] : f32 from vector<1xf32>
    %slice3A_5 = vector.extract_strided_slice %reduce_sum3A_3 {offsets = [33], sizes = [1], strides = [1]} : vector<34xf32> to vector<1xf32>
    %squeeze3A_6 = vector.extract %slice3A_5[0] : f32 from vector<1xf32>
    %div3A = arith.constant 0x49800000 : f32
    %div3A_7 = vector.broadcast %div3A : f32 to vector<32xf32>
    %div3A_8 = arith.divf %slice3A, %div3A_7 : vector<32xf32>
    %add3A = arith.constant 1.000000e-10 : f32
    %add3A_9 = vector.broadcast %add3A : f32 to vector<32xf32>
    %add3A_10 = arith.addf %div3A_8, %add3A_9 : vector<32xf32>
    %log3A = math.log %add3A_10 : vector<32xf32>
    %mul3A = arith.mulf %add3A_10, %log3A : vector<32xf32>
    %reduce_sum3A_11 = vector.shape_cast %mul3A : vector<32xf32> to vector<1x32xf32>
    %reduce_sum3A_12 = arith.constant dense<0.000000e+00> : vector<1xf32>
    %reduce_sum3A_13 = vector.multi_reduction <add>, %reduce_sum3A_11, %reduce_sum3A_12 [1] : vector<1x32xf32> to vector<1xf32>
    %reduce_sum3A_14 = vector.shape_cast %reduce_sum3A_13 : vector<1xf32> to vector<1x1xf32>
    %reduce_sum3A_15 = vector.extract %reduce_sum3A_14[0, 0] : f32 from vector<1x1xf32>
    %neg3A = arith.constant 0.000000e+00 : f32
    %neg3A_16 = arith.subf %neg3A, %reduce_sum3A_15 : f32
    %mul3A_17 = arith.mulf %squeeze3A, %squeeze3A : f32
    %div3A_18 = arith.constant 0x49800000 : f32
    %div3A_19 = arith.divf %mul3A_17, %div3A_18 : f32
    %sub3A = arith.subf %squeeze3A_6, %div3A_19 : f32
    %sub3A_20 = arith.constant 0x49800000 : f32
    %sub3A_21 = arith.constant 1.000000e+00 : f32
    %sub3A_22 = arith.subf %sub3A_20, %sub3A_21 : f32
    %div3A_23 = arith.divf %sub3A, %sub3A_22 : f32
    %max3A = arith.constant 0.000000e+00 : f32
    %max3A_24 = arith.maximumf %div3A_23, %max3A : f32
    %sqrt3A = math.sqrt %max3A_24 : f32
    %mul3A_25 = arith.constant 1.060000e+00 : f32
    %mul3A_26 = arith.mulf %mul3A_25, %sqrt3A : f32
    %mul3A_27 = arith.constant 6.250000e-02 : f32
    %mul3A_28 = arith.mulf %mul3A_26, %mul3A_27 : f32
    %mul3A_29 = arith.mulf %mul3A_28, %mul3A_28 : f32
    %add3A_30 = arith.constant 9.99999997E-7 : f32
    %add3A_31 = arith.addf %mul3A_29, %add3A_30 : f32
    %div3A_32 = arith.constant 1.000000e+00 : f32
    %div3A_33 = arith.divf %div3A_32, %add3A_31 : f32
    %min3A = arith.constant 1.000000e+02 : f32
    %min3A_34 = arith.minimumf %div3A_33, %min3A : f32
    %min3A_35 = arith.constant 3.750000e+00 : f32
    %min3A_36 = arith.minimumf %min3A_34, %min3A_35 : f32
    %max3A_37 = arith.constant 3.750000e+00 : f32
    %max3A_38 = arith.maximumf %min3A_34, %max3A_37 : f32
    %div3A_39 = arith.constant 3.750000e+00 : f32
    %div3A_40 = arith.divf %min3A_36, %div3A_39 : f32
    %integer_pow3A = arith.mulf %div3A_40, %div3A_40 : f32
    %mul3A_41 = arith.constant 4.581300e-03 : f32
    %mul3A_42 = arith.mulf %mul3A_41, %integer_pow3A : f32
    %add3A_43 = arith.constant 3.607680e-02 : f32
    %add3A_44 = arith.addf %mul3A_42, %add3A_43 : f32
    %mul3A_45 = arith.mulf %add3A_44, %integer_pow3A : f32
    %add3A_46 = arith.constant 0.26597321 : f32
    %add3A_47 = arith.addf %mul3A_45, %add3A_46 : f32
    %mul3A_48 = arith.mulf %add3A_47, %integer_pow3A : f32
    %add3A_49 = arith.constant 1.2067492 : f32
    %add3A_50 = arith.addf %mul3A_48, %add3A_49 : f32
    %mul3A_51 = arith.mulf %add3A_50, %integer_pow3A : f32
    %add3A_52 = arith.constant 3.08994246 : f32
    %add3A_53 = arith.addf %mul3A_51, %add3A_52 : f32
    %mul3A_54 = arith.mulf %add3A_53, %integer_pow3A : f32
    %add3A_55 = arith.constant 3.51562285 : f32
    %add3A_56 = arith.addf %mul3A_54, %add3A_55 : f32
    %mul3A_57 = arith.mulf %add3A_56, %integer_pow3A : f32
    %add3A_58 = arith.constant 1.000000e+00 : f32
    %add3A_59 = arith.addf %mul3A_57, %add3A_58 : f32
    %neg3A_60 = arith.constant 0.000000e+00 : f32
    %neg3A_61 = arith.subf %neg3A_60, %min3A_36 : f32
    %exp3A = math.exp %neg3A_61 : f32
    %mul3A_62 = arith.mulf %add3A_59, %exp3A : f32
    %div3A_63 = arith.constant 3.750000e+00 : f32
    %div3A_64 = arith.divf %div3A_63, %max3A_38 : f32
    %mul3A_65 = arith.constant 3.923770e-03 : f32
    %mul3A_66 = arith.mulf %mul3A_65, %div3A_64 : f32
    %add3A_67 = arith.constant -0.0164763294 : f32
    %add3A_68 = arith.addf %mul3A_66, %add3A_67 : f32
    %mul3A_69 = arith.mulf %add3A_68, %div3A_64 : f32
    %add3A_70 = arith.constant 0.0263553709 : f32
    %add3A_71 = arith.addf %mul3A_69, %add3A_70 : f32
    %mul3A_72 = arith.mulf %add3A_71, %div3A_64 : f32
    %add3A_73 = arith.constant -0.0205770601 : f32
    %add3A_74 = arith.addf %mul3A_72, %add3A_73 : f32
    %mul3A_75 = arith.mulf %add3A_74, %div3A_64 : f32
    %add3A_76 = arith.constant 0.00916280969 : f32
    %add3A_77 = arith.addf %mul3A_75, %add3A_76 : f32
    %mul3A_78 = arith.mulf %add3A_77, %div3A_64 : f32
    %add3A_79 = arith.constant -1.575650e-03 : f32
    %add3A_80 = arith.addf %mul3A_78, %add3A_79 : f32
    %mul3A_81 = arith.mulf %add3A_80, %div3A_64 : f32
    %add3A_82 = arith.constant 2.253190e-03 : f32
    %add3A_83 = arith.addf %mul3A_81, %add3A_82 : f32
    %mul3A_84 = arith.mulf %add3A_83, %div3A_64 : f32
    %add3A_85 = arith.constant 0.01328592 : f32
    %add3A_86 = arith.addf %mul3A_84, %add3A_85 : f32
    %mul3A_87 = arith.mulf %add3A_86, %div3A_64 : f32
    %add3A_88 = arith.constant 0.398942292 : f32
    %add3A_89 = arith.addf %mul3A_87, %add3A_88 : f32
    %sqrt3A_90 = math.sqrt %max3A_38 : f32
    %div3A_91 = arith.divf %add3A_89, %sqrt3A_90 : f32
    %lt3A = arith.constant 3.750000e+00 : f32
    %lt3A_92 = arith.cmpf olt, %min3A_34, %lt3A : f32
    %select_n3A = arith.select %lt3A_92, %mul3A_62, %div3A_91 : f32
    %log3A_93 = math.log %select_n3A : f32
    %add3A_94 = arith.constant 1.83787704 : f32
    %add3A_95 = arith.addf %add3A_94, %log3A_93 : f32
    %add3A_96 = arith.addf %add3A_95, %min3A_34 : f32
    %get3A_97 = arith.constant 0 : index
    %get3A_98 = arith.constant 0 : index
    %get3A_99 = vector.load %arg1[%get3A_97, %get3A_98] : memref<32x64xf32, #tpu.memory_space<vmem>>, vector<32x64xf32>
    %reduce_sum3A_100 = arith.constant dense<0.000000e+00> : vector<32xf32>
    %reduce_sum3A_101 = vector.multi_reduction <add>, %get3A_99, %reduce_sum3A_100 [1] : vector<32x64xf32> to vector<32xf32>
    %broadcast_in_dim3A = vector.shape_cast %reduce_sum3A_101 : vector<32xf32> to vector<32x1xf32>
    %div3A_102 = arith.constant 6.400000e+01 : f32
    %div3A_103 = vector.broadcast %div3A_102 : f32 to vector<32x1xf32>
    %div3A_104 = arith.divf %broadcast_in_dim3A, %div3A_103 : vector<32x1xf32>
    %sub3A_105 = vector.broadcast %div3A_104 : vector<32x1xf32> to vector<32x64xf32>
    %sub3A_106 = arith.subf %get3A_99, %sub3A_105 : vector<32x64xf32>
    %integer_pow3A_107 = arith.mulf %sub3A_106, %sub3A_106 : vector<32x64xf32>
    %reduce_sum3A_108 = arith.constant dense<0.000000e+00> : vector<32xf32>
    %reduce_sum3A_109 = vector.multi_reduction <add>, %integer_pow3A_107, %reduce_sum3A_108 [1] : vector<32x64xf32> to vector<32xf32>
    %broadcast_in_dim3A_110 = vector.shape_cast %reduce_sum3A_109 : vector<32xf32> to vector<32x1xf32>
    %div3A_111 = arith.constant 6.400000e+01 : f32
    %div3A_112 = vector.broadcast %div3A_111 : f32 to vector<32x1xf32>
    %div3A_113 = arith.divf %broadcast_in_dim3A_110, %div3A_112 : vector<32x1xf32>
    %sub3A_114 = vector.broadcast %div3A_104 : vector<32x1xf32> to vector<32x64xf32>
    %sub3A_115 = arith.subf %get3A_99, %sub3A_114 : vector<32x64xf32>
    %add3A_116 = arith.constant 9.99999974E-6 : f32
    %add3A_117 = vector.broadcast %add3A_116 : f32 to vector<32x1xf32>
    %add3A_118 = arith.addf %div3A_113, %add3A_117 : vector<32x1xf32>
    %sqrt3A_119 = math.sqrt %add3A_118 : vector<32x1xf32>
    %div3A_120 = vector.broadcast %sqrt3A_119 : vector<32x1xf32> to vector<32x64xf32>
    %div3A_121 = arith.divf %sub3A_115, %div3A_120 : vector<32x64xf32>
    %get3A_122 = arith.constant 0 : index
    %get3A_123 = vector.load %arg2[%get3A_122] : memref<64xf32, #tpu.memory_space<vmem>>, vector<64xf32>
    %broadcast_in_dim3A_124 = vector.shape_cast %get3A_123 : vector<64xf32> to vector<1x64xf32>
    %mul3A_125 = vector.broadcast %broadcast_in_dim3A_124 : vector<1x64xf32> to vector<32x64xf32>
    %mul3A_126 = arith.mulf %div3A_121, %mul3A_125 : vector<32x64xf32>
    %get3A_127 = arith.constant 0 : index
    %get3A_128 = vector.load %arg3[%get3A_127] : memref<64xf32, #tpu.memory_space<vmem>>, vector<64xf32>
    %broadcast_in_dim3A_129 = vector.shape_cast %get3A_128 : vector<64xf32> to vector<1x64xf32>
    %add3A_130 = vector.broadcast %broadcast_in_dim3A_129 : vector<1x64xf32> to vector<32x64xf32>
    %add3A_131 = arith.addf %mul3A_126, %add3A_130 : vector<32x64xf32>
    %max3A_132 = arith.constant 0.000000e+00 : f32
    %max3A_133 = vector.broadcast %max3A_132 : f32 to vector<32x64xf32>
    %max3A_134 = arith.maximumf %add3A_131, %max3A_133 : vector<32x64xf32>
    %get3A_135 = arith.constant 0 : index
    %get3A_136 = arith.constant 0 : index
    %get3A_137 = vector.load %arg4[%get3A_135, %get3A_136] : memref<64x64xf32, #tpu.memory_space<vmem>>, vector<64x64xf32>
    %dot_general3A = arith.constant dense<0.000000e+00> : vector<32x64xf32>
    %dot_general3A_138 = tpu.matmul %max3A_134, %get3A_137, %dot_general3A {dimension_numbers = #tpu.dot_dimension_numbers<[1], [1], [0], [0], [0, 0, 1, 0], [], []>, transpose_lhs_hint = false} : vector<32x64xf32>, vector<64x64xf32>, vector<32x64xf32> -> vector<32x64xf32>
    %get3A_139 = arith.constant 0 : index
    %get3A_140 = vector.load %arg5[%get3A_139] : memref<64xf32, #tpu.memory_space<vmem>>, vector<64xf32>
    %broadcast_in_dim3A_141 = vector.shape_cast %get3A_140 : vector<64xf32> to vector<1x64xf32>
    %add3A_142 = vector.broadcast %broadcast_in_dim3A_141 : vector<1x64xf32> to vector<32x64xf32>
    %add3A_143 = arith.addf %dot_general3A_138, %add3A_142 : vector<32x64xf32>
    %max3A_144 = arith.constant 0.000000e+00 : f32
    %max3A_145 = vector.broadcast %max3A_144 : f32 to vector<32x64xf32>
    %max3A_146 = arith.maximumf %add3A_143, %max3A_145 : vector<32x64xf32>
    %get3A_147 = arith.constant 0 : index
    %get3A_148 = arith.constant 0 : index
    %get3A_149 = vector.load %arg6[%get3A_147, %get3A_148] : memref<1x64xf32, #tpu.memory_space<vmem>>, vector<1x64xf32>
    %dot_general3A_150 = arith.constant dense<0.000000e+00> : vector<32x1xf32>
    %dot_general3A_151 = tpu.matmul %max3A_146, %get3A_149, %dot_general3A_150 {dimension_numbers = #tpu.dot_dimension_numbers<[1], [1], [0], [0], [0, 0, 1, 0], [], []>, transpose_lhs_hint = false} : vector<32x64xf32>, vector<1x64xf32>, vector<32x1xf32> -> vector<32x1xf32>
    %squeeze3A_152 = vector.shape_cast %dot_general3A_151 : vector<32x1xf32> to vector<32xf32>
    %get3A_153 = arith.constant 0 : index
    %get3A_154 = vector.load %arg7[%get3A_153] : memref<1xf32, #tpu.memory_space<vmem>>, vector<1xf32>
    %add3A_155 = vector.broadcast %get3A_154 : vector<1xf32> to vector<32xf32>
    %add3A_156 = arith.addf %squeeze3A_152, %add3A_155 : vector<32xf32>
    %max3A_157 = arith.constant 0.000000e+00 : f32
    %max3A_158 = vector.broadcast %max3A_157 : f32 to vector<32xf32>
    %max3A_159 = arith.maximumf %add3A_156, %max3A_158 : vector<32xf32>
    %abs3A = math.absf %add3A_156 : vector<32xf32>
    %neg3A_160 = arith.constant 0.000000e+00 : f32
    %neg3A_161 = vector.broadcast %neg3A_160 : f32 to vector<32xf32>
    %neg3A_162 = arith.subf %neg3A_161, %abs3A : vector<32xf32>
    %exp3A_163 = math.exp %neg3A_162 : vector<32xf32>
    %log1p3A = math.log1p %exp3A_163 : vector<32xf32>
    %add3A_164 = arith.addf %max3A_159, %log1p3A : vector<32xf32>
    %add3A_165 = arith.constant 1.000000e-01 : f32
    %add3A_166 = vector.broadcast %add3A_165 : f32 to vector<32xf32>
    %add3A_167 = arith.addf %add3A_164, %add3A_166 : vector<32xf32>
    %min3A_168 = arith.constant 3.750000e+00 : f32
    %min3A_169 = vector.broadcast %min3A_168 : f32 to vector<32xf32>
    %min3A_170 = arith.minimumf %add3A_167, %min3A_169 : vector<32xf32>
    %max3A_171 = arith.constant 3.750000e+00 : f32
    %max3A_172 = vector.broadcast %max3A_171 : f32 to vector<32xf32>
    %max3A_173 = arith.maximumf %add3A_167, %max3A_172 : vector<32xf32>
    %div3A_174 = arith.constant 3.750000e+00 : f32
    %div3A_175 = vector.broadcast %div3A_174 : f32 to vector<32xf32>
    %div3A_176 = arith.divf %min3A_170, %div3A_175 : vector<32xf32>
    %integer_pow3A_177 = arith.mulf %div3A_176, %div3A_176 : vector<32xf32>
    %mul3A_178 = arith.constant 4.581300e-03 : f32
    %mul3A_179 = vector.broadcast %mul3A_178 : f32 to vector<32xf32>
    %mul3A_180 = arith.mulf %mul3A_179, %integer_pow3A_177 : vector<32xf32>
    %add3A_181 = arith.constant 3.607680e-02 : f32
    %add3A_182 = vector.broadcast %add3A_181 : f32 to vector<32xf32>
    %add3A_183 = arith.addf %mul3A_180, %add3A_182 : vector<32xf32>
    %mul3A_184 = arith.mulf %add3A_183, %integer_pow3A_177 : vector<32xf32>
    %add3A_185 = arith.constant 0.26597321 : f32
    %add3A_186 = vector.broadcast %add3A_185 : f32 to vector<32xf32>
    %add3A_187 = arith.addf %mul3A_184, %add3A_186 : vector<32xf32>
    %mul3A_188 = arith.mulf %add3A_187, %integer_pow3A_177 : vector<32xf32>
    %add3A_189 = arith.constant 1.2067492 : f32
    %add3A_190 = vector.broadcast %add3A_189 : f32 to vector<32xf32>
    %add3A_191 = arith.addf %mul3A_188, %add3A_190 : vector<32xf32>
    %mul3A_192 = arith.mulf %add3A_191, %integer_pow3A_177 : vector<32xf32>
    %add3A_193 = arith.constant 3.08994246 : f32
    %add3A_194 = vector.broadcast %add3A_193 : f32 to vector<32xf32>
    %add3A_195 = arith.addf %mul3A_192, %add3A_194 : vector<32xf32>
    %mul3A_196 = arith.mulf %add3A_195, %integer_pow3A_177 : vector<32xf32>
    %add3A_197 = arith.constant 3.51562285 : f32
    %add3A_198 = vector.broadcast %add3A_197 : f32 to vector<32xf32>
    %add3A_199 = arith.addf %mul3A_196, %add3A_198 : vector<32xf32>
    %mul3A_200 = arith.mulf %add3A_199, %integer_pow3A_177 : vector<32xf32>
    %add3A_201 = arith.constant 1.000000e+00 : f32
    %add3A_202 = vector.broadcast %add3A_201 : f32 to vector<32xf32>
    %add3A_203 = arith.addf %mul3A_200, %add3A_202 : vector<32xf32>
    %neg3A_204 = arith.constant 0.000000e+00 : f32
    %neg3A_205 = vector.broadcast %neg3A_204 : f32 to vector<32xf32>
    %neg3A_206 = arith.subf %neg3A_205, %min3A_170 : vector<32xf32>
    %exp3A_207 = math.exp %neg3A_206 : vector<32xf32>
    %mul3A_208 = arith.mulf %add3A_203, %exp3A_207 : vector<32xf32>
    %div3A_209 = arith.constant 3.750000e+00 : f32
    %div3A_210 = vector.broadcast %div3A_209 : f32 to vector<32xf32>
    %div3A_211 = arith.divf %div3A_210, %max3A_173 : vector<32xf32>
    %mul3A_212 = arith.constant 3.923770e-03 : f32
    %mul3A_213 = vector.broadcast %mul3A_212 : f32 to vector<32xf32>
    %mul3A_214 = arith.mulf %mul3A_213, %div3A_211 : vector<32xf32>
    %add3A_215 = arith.constant -0.0164763294 : f32
    %add3A_216 = vector.broadcast %add3A_215 : f32 to vector<32xf32>
    %add3A_217 = arith.addf %mul3A_214, %add3A_216 : vector<32xf32>
    %mul3A_218 = arith.mulf %add3A_217, %div3A_211 : vector<32xf32>
    %add3A_219 = arith.constant 0.0263553709 : f32
    %add3A_220 = vector.broadcast %add3A_219 : f32 to vector<32xf32>
    %add3A_221 = arith.addf %mul3A_218, %add3A_220 : vector<32xf32>
    %mul3A_222 = arith.mulf %add3A_221, %div3A_211 : vector<32xf32>
    %add3A_223 = arith.constant -0.0205770601 : f32
    %add3A_224 = vector.broadcast %add3A_223 : f32 to vector<32xf32>
    %add3A_225 = arith.addf %mul3A_222, %add3A_224 : vector<32xf32>
    %mul3A_226 = arith.mulf %add3A_225, %div3A_211 : vector<32xf32>
    %add3A_227 = arith.constant 0.00916280969 : f32
    %add3A_228 = vector.broadcast %add3A_227 : f32 to vector<32xf32>
    %add3A_229 = arith.addf %mul3A_226, %add3A_228 : vector<32xf32>
    %mul3A_230 = arith.mulf %add3A_229, %div3A_211 : vector<32xf32>
    %add3A_231 = arith.constant -1.575650e-03 : f32
    %add3A_232 = vector.broadcast %add3A_231 : f32 to vector<32xf32>
    %add3A_233 = arith.addf %mul3A_230, %add3A_232 : vector<32xf32>
    %mul3A_234 = arith.mulf %add3A_233, %div3A_211 : vector<32xf32>
    %add3A_235 = arith.constant 2.253190e-03 : f32
    %add3A_236 = vector.broadcast %add3A_235 : f32 to vector<32xf32>
    %add3A_237 = arith.addf %mul3A_234, %add3A_236 : vector<32xf32>
    %mul3A_238 = arith.mulf %add3A_237, %div3A_211 : vector<32xf32>
    %add3A_239 = arith.constant 0.01328592 : f32
    %add3A_240 = vector.broadcast %add3A_239 : f32 to vector<32xf32>
    %add3A_241 = arith.addf %mul3A_238, %add3A_240 : vector<32xf32>
    %mul3A_242 = arith.mulf %add3A_241, %div3A_211 : vector<32xf32>
    %add3A_243 = arith.constant 0.398942292 : f32
    %add3A_244 = vector.broadcast %add3A_243 : f32 to vector<32xf32>
    %add3A_245 = arith.addf %mul3A_242, %add3A_244 : vector<32xf32>
    %sqrt3A_246 = math.sqrt %max3A_173 : vector<32xf32>
    %div3A_247 = arith.divf %add3A_245, %sqrt3A_246 : vector<32xf32>
    %lt3A_248 = arith.constant 3.750000e+00 : f32
    %lt3A_249 = vector.broadcast %lt3A_248 : f32 to vector<32xf32>
    %lt3A_250 = arith.cmpf olt, %add3A_167, %lt3A_249 : vector<32xf32>
    %select_n3A_251 = arith.select %lt3A_250, %mul3A_208, %div3A_247 : vector<32xi1>, vector<32xf32>
    %min3A_252 = arith.constant 3.750000e+00 : f32
    %min3A_253 = vector.broadcast %min3A_252 : f32 to vector<32xf32>
    %min3A_254 = arith.minimumf %add3A_167, %min3A_253 : vector<32xf32>
    %max3A_255 = arith.constant 3.750000e+00 : f32
    %max3A_256 = vector.broadcast %max3A_255 : f32 to vector<32xf32>
    %max3A_257 = arith.maximumf %add3A_167, %max3A_256 : vector<32xf32>
    %div3A_258 = arith.constant 3.750000e+00 : f32
    %div3A_259 = vector.broadcast %div3A_258 : f32 to vector<32xf32>
    %div3A_260 = arith.divf %min3A_254, %div3A_259 : vector<32xf32>
    %integer_pow3A_261 = arith.mulf %div3A_260, %div3A_260 : vector<32xf32>
    %mul3A_262 = arith.constant 3.241100e-04 : f32
    %mul3A_263 = vector.broadcast %mul3A_262 : f32 to vector<32xf32>
    %mul3A_264 = arith.mulf %mul3A_263, %integer_pow3A_261 : vector<32xf32>
    %add3A_265 = arith.constant 3.015320e-03 : f32
    %add3A_266 = vector.broadcast %add3A_265 : f32 to vector<32xf32>
    %add3A_267 = arith.addf %mul3A_264, %add3A_266 : vector<32xf32>
    %mul3A_268 = arith.mulf %add3A_267, %integer_pow3A_261 : vector<32xf32>
    %add3A_269 = arith.constant 0.0265873298 : f32
    %add3A_270 = vector.broadcast %add3A_269 : f32 to vector<32xf32>
    %add3A_271 = arith.addf %mul3A_268, %add3A_270 : vector<32xf32>
    %mul3A_272 = arith.mulf %add3A_271, %integer_pow3A_261 : vector<32xf32>
    %add3A_273 = arith.constant 0.150849342 : f32
    %add3A_274 = vector.broadcast %add3A_273 : f32 to vector<32xf32>
    %add3A_275 = arith.addf %mul3A_272, %add3A_274 : vector<32xf32>
    %mul3A_276 = arith.mulf %add3A_275, %integer_pow3A_261 : vector<32xf32>
    %add3A_277 = arith.constant 0.514988661 : f32
    %add3A_278 = vector.broadcast %add3A_277 : f32 to vector<32xf32>
    %add3A_279 = arith.addf %mul3A_276, %add3A_278 : vector<32xf32>
    %mul3A_280 = arith.mulf %add3A_279, %integer_pow3A_261 : vector<32xf32>
    %add3A_281 = arith.constant 0.878905951 : f32
    %add3A_282 = vector.broadcast %add3A_281 : f32 to vector<32xf32>
    %add3A_283 = arith.addf %mul3A_280, %add3A_282 : vector<32xf32>
    %mul3A_284 = arith.mulf %add3A_283, %integer_pow3A_261 : vector<32xf32>
    %add3A_285 = arith.constant 5.000000e-01 : f32
    %add3A_286 = vector.broadcast %add3A_285 : f32 to vector<32xf32>
    %add3A_287 = arith.addf %mul3A_284, %add3A_286 : vector<32xf32>
    %mul3A_288 = arith.mulf %min3A_254, %add3A_287 : vector<32xf32>
    %neg3A_289 = arith.constant 0.000000e+00 : f32
    %neg3A_290 = vector.broadcast %neg3A_289 : f32 to vector<32xf32>
    %neg3A_291 = arith.subf %neg3A_290, %min3A_254 : vector<32xf32>
    %exp3A_292 = math.exp %neg3A_291 : vector<32xf32>
    %mul3A_293 = arith.mulf %mul3A_288, %exp3A_292 : vector<32xf32>
    %div3A_294 = arith.constant 3.750000e+00 : f32
    %div3A_295 = vector.broadcast %div3A_294 : f32 to vector<32xf32>
    %div3A_296 = arith.divf %div3A_295, %max3A_257 : vector<32xf32>
    %mul3A_297 = arith.constant -4.200590e-03 : f32
    %mul3A_298 = vector.broadcast %mul3A_297 : f32 to vector<32xf32>
    %mul3A_299 = arith.mulf %mul3A_298, %div3A_296 : vector<32xf32>
    %add3A_300 = arith.constant 0.0178765394 : f32
    %add3A_301 = vector.broadcast %add3A_300 : f32 to vector<32xf32>
    %add3A_302 = arith.addf %mul3A_299, %add3A_301 : vector<32xf32>
    %mul3A_303 = arith.mulf %add3A_302, %div3A_296 : vector<32xf32>
    %add3A_304 = arith.constant -0.0289531201 : f32
    %add3A_305 = vector.broadcast %add3A_304 : f32 to vector<32xf32>
    %add3A_306 = arith.addf %mul3A_303, %add3A_305 : vector<32xf32>
    %mul3A_307 = arith.mulf %add3A_306, %div3A_296 : vector<32xf32>
    %add3A_308 = arith.constant 0.0228296705 : f32
    %add3A_309 = vector.broadcast %add3A_308 : f32 to vector<32xf32>
    %add3A_310 = arith.addf %mul3A_307, %add3A_309 : vector<32xf32>
    %mul3A_311 = arith.mulf %add3A_310, %div3A_296 : vector<32xf32>
    %add3A_312 = arith.constant -0.0103155496 : f32
    %add3A_313 = vector.broadcast %add3A_312 : f32 to vector<32xf32>
    %add3A_314 = arith.addf %mul3A_311, %add3A_313 : vector<32xf32>
    %mul3A_315 = arith.mulf %add3A_314, %div3A_296 : vector<32xf32>
    %add3A_316 = arith.constant 1.638010e-03 : f32
    %add3A_317 = vector.broadcast %add3A_316 : f32 to vector<32xf32>
    %add3A_318 = arith.addf %mul3A_315, %add3A_317 : vector<32xf32>
    %mul3A_319 = arith.mulf %add3A_318, %div3A_296 : vector<32xf32>
    %add3A_320 = arith.constant -3.620180e-03 : f32
    %add3A_321 = vector.broadcast %add3A_320 : f32 to vector<32xf32>
    %add3A_322 = arith.addf %mul3A_319, %add3A_321 : vector<32xf32>
    %mul3A_323 = arith.mulf %add3A_322, %div3A_296 : vector<32xf32>
    %add3A_324 = arith.constant -0.0398802385 : f32
    %add3A_325 = vector.broadcast %add3A_324 : f32 to vector<32xf32>
    %add3A_326 = arith.addf %mul3A_323, %add3A_325 : vector<32xf32>
    %mul3A_327 = arith.mulf %add3A_326, %div3A_296 : vector<32xf32>
    %add3A_328 = arith.constant 0.398942292 : f32
    %add3A_329 = vector.broadcast %add3A_328 : f32 to vector<32xf32>
    %add3A_330 = arith.addf %mul3A_327, %add3A_329 : vector<32xf32>
    %sqrt3A_331 = math.sqrt %max3A_257 : vector<32xf32>
    %div3A_332 = arith.divf %add3A_330, %sqrt3A_331 : vector<32xf32>
    %lt3A_333 = arith.constant 3.750000e+00 : f32
    %lt3A_334 = vector.broadcast %lt3A_333 : f32 to vector<32xf32>
    %lt3A_335 = arith.cmpf olt, %add3A_167, %lt3A_334 : vector<32xf32>
    %select_n3A_336 = arith.select %lt3A_335, %mul3A_293, %div3A_332 : vector<32xi1>, vector<32xf32>
    %div3A_337 = arith.divf %select_n3A_336, %select_n3A_251 : vector<32xf32>
    %log3A_338 = math.log %select_n3A_251 : vector<32xf32>
    %add3A_339 = arith.constant 1.83787704 : f32
    %add3A_340 = vector.broadcast %add3A_339 : f32 to vector<32xf32>
    %add3A_341 = arith.addf %add3A_340, %log3A_338 : vector<32xf32>
    %add3A_342 = arith.addf %add3A_341, %add3A_167 : vector<32xf32>
    %mul3A_343 = arith.mulf %add3A_167, %div3A_337 : vector<32xf32>
    %sub3A_344 = arith.subf %add3A_342, %mul3A_343 : vector<32xf32>
    %div3A_345 = arith.constant 0x49800000 : f32
    %div3A_346 = vector.broadcast %div3A_345 : f32 to vector<32xf32>
    %div3A_347 = arith.divf %slice3A, %div3A_346 : vector<32xf32>
    %mul3A_348 = arith.mulf %div3A_347, %sub3A_344 : vector<32xf32>
    %reduce_sum3A_349 = vector.shape_cast %mul3A_348 : vector<32xf32> to vector<1x32xf32>
    %reduce_sum3A_350 = arith.constant dense<0.000000e+00> : vector<1xf32>
    %reduce_sum3A_351 = vector.multi_reduction <add>, %reduce_sum3A_349, %reduce_sum3A_350 [1] : vector<1x32xf32> to vector<1xf32>
    %reduce_sum3A_352 = vector.shape_cast %reduce_sum3A_351 : vector<1xf32> to vector<1x1xf32>
    %reduce_sum3A_353 = vector.extract %reduce_sum3A_352[0, 0] : f32 from vector<1x1xf32>
    %sub3A_354 = arith.subf %add3A_96, %reduce_sum3A_353 : f32
    %mul3A_355 = arith.constant 2.000000e+00 : f32
    %mul3A_356 = arith.mulf %mul3A_355, %sub3A_354 : f32
    %add3A_357 = arith.addf %neg3A_16, %add3A_96 : f32
    %add3A_358 = arith.constant 9.99999996E-13 : f32
    %add3A_359 = arith.addf %add3A_357, %add3A_358 : f32
    %div3A_360 = arith.divf %mul3A_356, %add3A_359 : f32
    %jit3A = arith.constant 0.000000e+00 : f32
    %jit3A_361 = arith.constant 1.000000e+00 : f32
    %max3A_362 = arith.maximumf %jit3A, %div3A_360 : f32
    %min3A_363 = arith.minimumf %jit3A_361, %max3A_362 : f32
    %swap3A = memref.load %arg8[] : memref<f32, #tpu.memory_space<smem>>
    memref.store %sub3A_354, %arg8[] : memref<f32, #tpu.memory_space<smem>>
    %swap3A_364 = memref.load %arg9[] : memref<f32, #tpu.memory_space<smem>>
    memref.store %neg3A_16, %arg9[] : memref<f32, #tpu.memory_space<smem>>
    %swap3A_365 = memref.load %arg10[] : memref<f32, #tpu.memory_space<smem>>
    memref.store %add3A_96, %arg10[] : memref<f32, #tpu.memory_space<smem>>
    %swap3A_366 = memref.load %arg11[] : memref<f32, #tpu.memory_space<smem>>
    memref.store %reduce_sum3A_353, %arg11[] : memref<f32, #tpu.memory_space<smem>>
    %swap3A_367 = memref.load %arg12[] : memref<f32, #tpu.memory_space<smem>>
    memref.store %min3A_363, %arg12[] : memref<f32, #tpu.memory_space<smem>>
    return
  }
}

</mosaic_0001>

<sc_bundles>
// kernel: kernel.4.cloned.1.call-start
scs
__scs_entry_jumppad:
0x0: {  	(pc) =	sbr.rel $0x88, $3  }
0x1: {  	(tag) =	ssettag $0x0;
	lr =	simm.s32 $0x1  }
0x2: {  	[smem:$0x3F98] =	sst lr;
	_ =	strace $0xD0000000  }
0x3: {  	_ = 	snop  }
0x4: {  	_ = 	snop  }
0x5: {  	_ = 	snop  }
0x6: {  	_ = 	snop  }
0x7: {  	_ = 	snop  }
__scs_overlays_trampoline_lowered:
0x8: {  	[smem:$0x3FA7] =	sst s0  }
0x9: {  	[smem:$0x3FA8] =	sst s1  }
0xa: {  	[smem:$0x3FA9] =	sst s2  }
0xb: {  	[smem:$0x3FAA] =	sst s3  }
0xc: {  	[smem:$0x3FAB] =	sst s4  }
0xd: {  	[smem:$0x3FAC] =	sst s5  }
0xe: {  	[smem:$0x3FAD] =	sst s6  }
0xf: {  	[smem:$0x3FAE] =	sst s7  }
0x10: {  	[smem:$0x3FAF] =	sst s8  }
0x11: {  	[smem:$0x3FB0] =	sst s9;
	s0 =	simm.s32 @!p0 $0x0  }
0x12: {  	s1 =	sld [smem:$0x3F96];
	s0 =	simm.s32 @p0 $0x1  }
0x13: {  	[smem:$0x3FB1] =	sst s0;
	s0 =	simm.s32 @!p1 $0x0  }
0x14: {  	s2 =	sld [smem:$0x3F95];
	s0 =	simm.s32 @p1 $0x1  }
0x15: {  	[smem:$0x3FB2] =	sst s0;
	s0 =	simm.s32 @!p2 $0x0  }
0x16: {  	s3 =	sld [smem:$0x3FDB];
	s0 =	simm.s32 @p2 $0x1  }
0x17: {  	s4 =	simm.s32 $0x1BF5;
	[smem:$0x3FB4] =	sst s0  }
0x18: {  	s0 =	sld [smem:$0x3F97];
	_ =	swait.ge [sflag:s4], $0x0  }
0x19: {  	s7 =	sld [smem:$0x3F98]  }
0x1a: {  	s8 =	sadd.s32 $0xFFFFE003, lr  }
0x1b: {  	s9 =	sadd.s32 $0xFFFFFEF7, lr;
	s5 =	simm.s32 $0xFFFFFFFF;
	p2 =	slt.u32 s8, $0xFFFFF086  }
0x1c: {  	p1 =	slt.u32 s9, $0xF7A;
	s5 =	simm.s32 @!p2 $0x0  }
0x1d: {  	s5 =	simm.s32 @p1 $0x1;
	p0 =	seq.s32 s7, s2  }
0x1e: {  	s7 =	smul.u32 @!p0 $0xF7A, s2;
	p2 =	seq.s32 @!p0 s5, $0x0  }
0x1f: {  	s9 =	smul.u32 $0xF7A, s1;
	s8 =	simm.s32 @!p0 $0x1BF5;
	p2 =	por !p2, p0  }
0x20: {  	[sflag:s8] =	ssyncset.s32 @!p0 $0xFFFFF086;
	s6 =	sadd.s32 @!p0 s3, s7;
	s7 =	simm.s32 @!p0 $0x108  }
0x21: {  	s3 =	sadd.s32 s3, s9;
	s6 =	sadd.s32 @!p0 $0x88, s6;
	s7 =	simm.s32 @p2 $0x1082  }
0x22: {  	[simem:s7], [sflag:s8] =	dma.local @!p0 [hbm:s6], $0xF7A  }
0x23: {  	s9 =	sor.u32 $0xD0000000, s2;
	s6 =	simm.s32 $0x108;
	_ =	swait.ge @!p0 [sflag:s8], $0x0  }
0x24: {  	s3 =	sadd.s32 $0x88, s3;
	s6 =	simm.s32 @!p1 $0x1082;
	[sflag:s4] =	ssyncset.s32 $0xFFFFF086  }
0x25: {  	[simem:s6], [sflag:s4] =	dma.local [hbm:s3], $0xF7A  }
0x26: {  	[smem:$0x3F98] =	sst s1;
	(tag) =	ssettag s2;
	_ =	strace s9  }
0x27: {  	s1 =	sld [smem:$0x3FA8]  }
0x28: {  	s2 =	sld [smem:$0x3FA9]  }
0x29: {  	s4 =	sld [smem:$0x3FAB]  }
0x2a: {  	p0 =	seq.s32 s5, $0x0;
	s5 =	sld [smem:$0x3FAC]  }
0x2b: {  	s6 =	sld [smem:$0x3FAD]  }
0x2c: {  	s7 =	sld [smem:$0x3FAE]  }
0x2d: {  	s3 =	simm.s32 $0x108;
	s8 =	sld [smem:$0x3FAF]  }
0x2e: {  	s3 =	simm.s32 @!p0 $0x1082;
	s9 =	sld [smem:$0x3FB0]  }
0x2f: {  	lr =	sadd.s32 s0, s3;
	s0 =	sld [smem:$0x3FA7]  }
0x30: {  	s3 =	sld [smem:$0x3FAA]  }
0x31: {  	[smem:$0x3FB3] =	sst s10  }
0x32: {  	s10 =	sld [smem:$0x3FB1];
	_ =	sdelay $0x3  }
0x33: {  	p0 =	seq.s32 s10, $0x1;
	s10 =	sld [smem:$0x3FB3];
	_ =	sdelay $0x3  }
0x34: {  	[smem:$0x3FB3] =	sst s10  }
0x35: {  	s10 =	sld [smem:$0x3FB2];
	_ =	sdelay $0x3  }
0x36: {  	p1 =	seq.s32 s10, $0x1;
	s10 =	sld [smem:$0x3FB3];
	_ =	sdelay $0x3  }
0x37: {  	[smem:$0x3FB3] =	sst s10  }
0x38: {  	s10 =	sld [smem:$0x3FB4]  }
0x39: {  	_ = 	snop;
	(pc) =	sbr.ind lr, $3  }
0x3a: {  	_ = 	snop  }
0x3b: {  	_ = 	snop  }
0x3c: {  	p2 =	seq.s32 s10, $0x1;
	s10 =	sld [smem:$0x3FB3]  }
0x3d: {  	_ =	shalt  }
0x3e: {  	_ =	shalt  }
0x3f: {  	_ =	shalt  }
0x40: {  	_ =	shalt  }
0x41: {  	_ =	shalt  }
0x42: {  	_ =	shalt  }
0x43: {  	_ =	shalt  }
0x44: {  	_ =	shalt  }
0x45: {  	_ =	shalt  }
0x46: {  	_ =	shalt  }
0x47: {  	_ =	shalt  }
0x48: {  	_ =	shalt  }
0x49: {  	_ =	shalt  }
0x4a: {  	_ =	shalt  }
0x4b: {  	_ =	shalt  }
0x4c: {  	_ =	shalt  }
0x4d: {  	_ =	shalt  }
0x4e: {  	_ =	shalt  }
0x4f: {  	_ =	shalt  }
0x50: {  	_ =	shalt  }
0x51: {  	_ =	shalt  }
0x52: {  	_ =	shalt  }
0x53: {  	_ =	shalt  }
0x54: {  	_ =	shalt  }
0x55: {  	_ =	shalt  }
0x56: {  	_ =	shalt  }
0x57: {  	_ =	shalt  }
0x58: {  	_ =	shalt  }
0x59: {  	_ =	shalt  }
0x5a: {  	_ =	shalt  }
0x5b: {  	_ =	shalt  }
0x5c: {  	_ =	shalt  }
0x5d: {  	_ =	shalt  }
0x5e: {  	_ =	shalt  }
0x5f: {  	_ =	shalt  }
0x60: {  	_ =	shalt  }
0x61: {  	_ =	shalt  }
0x62: {  	_ =	shalt  }
0x63: {  	_ =	shalt  }
0x64: {  	_ =	shalt  }
0x65: {  	_ =	shalt  }
0x66: {  	_ =	shalt  }
0x67: {  	_ =	shalt  }
0x68: {  	_ =	shalt  }
0x69: {  	_ =	shalt  }
0x6a: {  	_ =	shalt  }
0x6b: {  	_ =	shalt  }
0x6c: {  	_ =	shalt  }
0x6d: {  	_ =	shalt  }
0x6e: {  	_ =	shalt  }
0x6f: {  	_ =	shalt  }
0x70: {  	_ =	shalt  }
0x71: {  	_ =	shalt  }
0x72: {  	_ =	shalt  }
0x73: {  	_ =	shalt  }
0x74: {  	_ =	shalt  }
0x75: {  	_ =	shalt  }
0x76: {  	_ =	shalt  }
0x77: {  	_ =	shalt  }
0x78: {  	_ =	shalt  }
0x79: {  	_ =	shalt  }
0x7a: {  	_ =	shalt  }
0x7b: {  	_ =	shalt  }
0x7c: {  	_ =	shalt  }
0x7d: {  	_ =	shalt  }
0x7e: {  	_ =	shalt  }
0x7f: {  	_ =	shalt  }
0x80: {  	_ =	shalt  }
0x81: {  	_ =	shalt  }
0x82: {  	_ =	shalt  }
0x83: {  	_ =	shalt  }
0x84: {  	_ =	shalt  }
0x85: {  	_ =	shalt  }
0x86: {  	_ =	shalt  }
0x87: {  	_ =	shalt  }
.Lfunc_end0:
.L_simem_size_0:
called_computation_lowered:
.L_overlay_start_0:
0x88: {  	s2 =	sld [smem:$0x3FD9]  }
0x89: {  	s3 =	sld [smem:$0x3FFE];
	_ =	sdelay $0x1  }
0x8a: {  	s1 =	srdreg.scid  }
0x8b: {  	s0 =	sand.u32 $0x1, s1  }
0x8c: {  	s17 =	sshll.u32 s0, $0xA;
	s2 =	sadd.s32 s3, s2  }
0x8d: {  	s2 =	sadd.s32 s2, s17  }
0x8e: {  	[smem:$0x3FBF] =	sst s2  }
0x8f: {  	_ = 	snop  }
0x90: {  	s2 =	sld [smem:$0x3FC9]  }
0x91: {  	s18 =	sld [smem:$0x3FC8];
	(tm) =	ssettm $0x1  }
0x92: {  	s4 =	sld [smem:$0x3FFB];
	_ =	sdelay $0x3  }
0x93: {  	_ =	strace s4  }
0x94: {  	s4 =	sld [smem:$0x3FFC];
	_ =	sdelay $0x3  }
0x95: {  	_ =	strace s4  }
0x96: {  	s4 =	sld [smem:$0x3FFD];
	_ =	sdelay $0x3  }
0x97: {  	_ =	strace s4  }
0x98: {  	_ =	strace $0x8FFFFFFF  }
0x99: {  	s19 =	sld [smem:$0x3FDB];
	_ =	sdelay $0x1  }
0x9a: {  	s5 =	simm.s32 $_scs_section_size  }
0x9b: {  	s6 =	simm.s32 $_size__tile_overlayer_lowered;
	s7 =	simm.s32 $_tile_overlayer_lowered  }
0x9c: {  	s22 =	simm.s32 $0x1BFF;
	s21 =	sshll.u32 s7, $0x1;
	s4 =	sadd.s32 s5, s19  }
0x9d: {  	s8 =	simm.s32 $0x0;
	s20 =	sshll.u32 s6, $0x1;
	s6 =	sadd.s32 s21, s4  }
0x9e: {  	[timem:s8], [sflag:s22] =	dma.local [hbm:s6], s20  }
0x9f: {  	_ =	swait.ge [sflag:s22], s20  }
0xa0: {  	s5 =	ssub.s32 $0x0, s20;
	[sflag:s22] =	ssyncset.done $0x0  }
0xa1: {  	[sflag:s22] =	ssyncadd.s32 s5;
	_ =	sdelay $0x1  }
0xa2: {  	s23 =	simm.s32 $0x1B8B  }
0xa3: {  	_ =	swait.ge [sflag:s23], $0x1  }
0xa4: {  	[sflag:s23] =	ssyncset.done $0x0  }
0xa5: {  	s25 =	simm.s32 $0x1B8E;
	s24 =	sld [smem:$0x3FFE];
	[sflag:s23] =	ssyncadd.s32 $0xFFFFFFFF  }
0xa6: {  	s26 =	simm.s32 $execute0_lowered;
	[smem:$0x3FD2] =	sst s25  }
0xa7: {  	s6 =	sshll.u32 s26, $0x1;
	_ =	strace $0x80000046;
	[dreg:$0x1] =	wrdreg $0xFFFFFFFF  }
0xa8: {  	s28 =	simm.s32 $_size_execute0_lowered;
	s4 =	sadd.s32 s4, s6;
	[dreg:$0x0] =	wrdreg $0x0  }
0xa9: {  	s6 =	sshll.u32 s28, $0x1;
	[dreg:$0x2] =	wrdreg s4  }
0xaa: {  	[dreg:$0x3] =	wrdreg s6  }
0xab: {  	[dreg:$0x4] =	wrdreg $0xC0  }
0xac: {  	_ =	task [dreg:s8], $0x5FFFF  }
0xad: {  	[dreg:$0x1] =	wrdreg $0xFFFFFFFF  }
0xae: {  	[dreg:$0x0] =	wrdreg $0x60  }
0xaf: {  	[dreg:$0x2] =	wrdreg s2  }
0xb0: {  	[dreg:$0x3] =	wrdreg s18  }
0xb1: {  	[dreg:$0x4] =	wrdreg s24  }
0xb2: {  	[dreg:$0x5] =	wrdreg $0x9  }
0xb3: {  	_ =	task.clear_ibuf [dreg:s8], $0x6FFFF;
	_ =	strace $0x90000046  }
0xb4: {  	s29 =	simm.s32 $0x9;
	_ =	strace $0x80000048  }
0xb5: {  	_ =	swait.ge [sflag:s29], $0x1  }
0xb6: {  	[sflag:s29] =	ssyncadd.s32 $0xFFFFFFFF  }
0xb7: {  	_ =	strace $0x90000048  }
0xb8: {  	_ =	sfence  }
0xb9: {  	s30 =	sld [smem:$0x0];
	_ =	sdelay $0x2  }
0xba: {  	s31 =	sshll.u32 s1, $0xD;
	s1 =	sshrl.u32 s1, $0x2  }
0xbb: {  	s3 =	sand.u32 $0x4000, s31;
	s1 =	sadd.s32 s1, s30  }
0xbc: {  	s0 =	sor.u32 s3, s0;
	s1 =	sshll.u32 s1, $0x11  }
0xbd: {  	s0 =	sor.u32 s1, s0  }
0xbe: {  	s0 =	sadd.s32 $0x8F2B, s0  }
0xbf: {  	[sflag:s0] =	ssyncadd.remote.s32 $0x1  }
0xc0: {  	_ =	sfence.sel $0xFFFF  }
0xc1: {  	[dreg:$0x0] =	wrdreg $0xFFFFFFFF;
	(pc) =	sbr.abs _section_cstart, $3  }
0xc2: {  	[dreg:$0x1] =	wrdreg $0xFFFFFFFF  }
0xc3: {  	_ =	task.clear_ibuf [dreg:s8], $0x2FFFF;
	_ =	strace $0x9FFFFFFF  }
0xc4: {  	(tm) =	ssettm $0x7FFFFFFF  }
0xc5: {  	_ =	shalt  }
tec
execute0_lowered:
.L_overlay_start_1:
0x0: {  	(tag) =	ssettag $0x1  }
0x1: {  	s3 =	rddreg [dreg:$0x0]  }
0x2: {  	s4 =	rddreg [dreg:$0x1]  }
0x3: {  	s1 =	srdreg.scid;
	s0 =	stileid.u32  }
0x4: {  	s5 =	rddreg [dreg:$0x2];
	s2 =	simm.s32 $0x0;
	s10 =	simm.s32 $0x2  }
0x5: {  	s11 =	simm.s32 $0x3;
	s6 =	sand.u32 $0x1, s1;
	s1 =	rddreg [dreg:$0x3]  }
0x6: {  	s12 =	simm.s32 $0x0;
	s7 =	sshll.u32 s0, $0x1;
	[smem:$0x7FF] =	sst s2  }
0x7: {  	s7 =	sor.u32 s6, s7;
	s6 =	ssub.s32 $0x2, s6;
	_ =	strace $0x80000047  }
0x8: {  	s8 =	smul.u32 $0x280, s7;
	s9 =	sshrl.u32 s6, $0x1;
	s7 =	sshll.u32 s7, $0xC  }
0x9: {  	s6 =	ssub.s32 s6, s9;
	s3 =	sadd.s32 s3, s7;
	s4 =	sadd.s32 s4, s7  }
0xa: {  	s7 =	simm.s32 $0x8000;
	s9 =	simm.s32 $0x10000;
	s5 =	sadd.s32 s8, s5  }
0xb: {  	v0 =	vimm.f32 $0.0e+00;
	v1 =	vlaneseq.u32;
	v2 =	vimm.f32 $1.000000000e+00;
	s6 =	smax.u32 s6, $0x1;
	s8 =	simm.s32 $0x1;
	s5 =	sadd.s32 $0x1200, s5  }
.LBB2_1:
0xc: {  	[tilespmem:s2], [sflag:$0x1] =	stream.linear.gather [hbm4b:s3+s2], $0x8000, $0x38;
	[tilespmem:$0x11400] =	vst v63  }
0xd: {  	_ = 	snop  }
0xe: {  	[tilespmem:s7], [sflag:$0x2] =	stream.linear.gather [hbm4b:s4+s2], $0x8000, $0x38;
	[tilespmem:$0x11400] =	vst v63  }
0xf: {  	[tilespmem:$0x10000] =	vst v0  }
0x10: {  	[tilespmem:$0x10080] =	vst v0  }
0x11: {  	[tilespmem:$0x10100] =	vst v0  }
0x12: {  	[tilespmem:$0x10180] =	vst v0  }
0x13: {  	[tilespmem:$0x10200] =	vst v0  }
0x14: {  	[tilespmem:$0x10280] =	vst v0  }
0x15: {  	[tilespmem:$0x10300] =	vst v0  }
0x16: {  	[tilespmem:$0x10380] =	vst v0  }
0x17: {  	[tilespmem:$0x10400] =	vst v0  }
0x18: {  	[tilespmem:$0x10480] =	vst v0  }
0x19: {  	[tilespmem:$0x10500] =	vst v0  }
0x1a: {  	[tilespmem:$0x10580] =	vst v0  }
0x1b: {  	[tilespmem:$0x10600] =	vst v0  }
0x1c: {  	[tilespmem:$0x10680] =	vst v0  }
0x1d: {  	[tilespmem:$0x10700] =	vst v0  }
0x1e: {  	[tilespmem:$0x10780] =	vst v0  }
0x1f: {  	[tilespmem:$0x10800] =	vst v0  }
0x20: {  	[tilespmem:$0x10880] =	vst v0  }
0x21: {  	[tilespmem:$0x10900] =	vst v0  }
0x22: {  	[tilespmem:$0x10980] =	vst v0  }
0x23: {  	[tilespmem:$0x10A00] =	vst v0  }
0x24: {  	[tilespmem:$0x10A80] =	vst v0  }
0x25: {  	[tilespmem:$0x10B00] =	vst v0  }
0x26: {  	[tilespmem:$0x10B80] =	vst v0  }
0x27: {  	[tilespmem:$0x10C00] =	vst v0  }
0x28: {  	[tilespmem:$0x10C80] =	vst v0  }
0x29: {  	[tilespmem:$0x10D00] =	vst v0  }
0x2a: {  	[tilespmem:$0x10D80] =	vst v0  }
0x2b: {  	[tilespmem:$0x10E00] =	vst v0  }
0x2c: {  	[tilespmem:$0x10E80] =	vst v0  }
0x2d: {  	[tilespmem:$0x10F00] =	vst v0  }
0x2e: {  	[tilespmem:$0x10F80] =	vst v0  }
0x2f: {  	[tilespmem:$0x11000] =	vst v0  }
0x30: {  	[tilespmem:$0x11080] =	vst v0  }
0x31: {  	_ =	swait.ge [sflag:s8], $0x8000  }
0x32: {  	[sflag:s8] =	ssyncset.done $0x0  }
0x33: {  	s13 =	simm.s32 $0x40;
	[sflag:s8] =	ssyncadd.s32 $0xFFFF8000  }
0x34: {  	v3 =	vld [tilespmem:s13+$0x30]  }
0x35: {  	v4 =	vld [tilespmem:s13+$0xFFFFFFD0]  }
0x36: {  	v5 =	vld [tilespmem:s13+$0xFFFFFFE0]  }
0x37: {  	v6 =	vld [tilespmem:s13+$0xFFFFFFF0]  }
0x38: {  	v7 =	vld [tilespmem:s13+$0x0]  }
0x39: {  	v3 =	vshll.u32 v3, $0x7  }
0x3a: {  	v4 =	vshll.u32 v4, $0x7;
	v3 =	vor.u32 v1, v3  }
0x3b: {  	v5 =	vshll.u32 v5, $0x7;
	v4 =	vor.u32 v1, v4  }
0x3c: {  	v8 =	vld [tilespmem:s13+$0x10];
	v6 =	vshll.u32 v6, $0x7;
	v5 =	vor.u32 v1, v5  }
0x3d: {  	v9 =	vld [tilespmem:s13+$0x20];
	v7 =	vshll.u32 v7, $0x7;
	v6 =	vor.u32 v1, v6  }
0x3e: {  	v10 =	vld [tilespmem:s13+$0xFFFFFFC0];
	v7 =	vor.u32 v1, v7  }
0x3f: {  	[tilespmem:v3+s9+$0x0] =	vst.idx.add.f32.msk $0xffff, v2  }
0x40: {  	[tilespmem:v4+s9+$0x0] =	vst.idx.add.f32.msk $0xffff, v2  }
0x41: {  	[tilespmem:v5+s9+$0x0] =	vst.idx.add.f32.msk $0xffff, v2  }
0x42: {  	[tilespmem:v6+s9+$0x0] =	vst.idx.add.f32.msk $0xffff, v2  }
0x43: {  	v3 =	vshll.u32 v8, $0x7;
	v4 =	vshll.u32 v9, $0x7;
	v5 =	vshll.u32 v10, $0x7;
	[tilespmem:v7+s9+$0x0] =	vst.idx.add.f32.msk $0xffff, v2  }
0x44: {  	s14 =	simm.s32 $0xC0;
	s13 =	simm.s32 $0x0;
	v3 =	vor.u32 v1, v3;
	v4 =	vor.u32 v1, v4;
	v5 =	vor.u32 v1, v5  }
.LBB2_2:
0x45: {  	v6 =	vld [tilespmem:s14+$0x30];
	s13 =	sadd.s32 $0x8, s13  }
0x46: {  	v7 =	vld [tilespmem:s14+$0xFFFFFFD0];
	p0 =	slt.u32 s13, $0x7F8  }
0x47: {  	v8 =	vld [tilespmem:s14+$0xFFFFFFE0]  }
0x48: {  	v9 =	vld [tilespmem:s14+$0xFFFFFFF0]  }
0x49: {  	v10 =	vld [tilespmem:s14+$0x0]  }
0x4a: {  	v11 =	vld [tilespmem:s14+$0x10];
	v6 =	vshll.u32 v6, $0x7  }
0x4b: {  	v7 =	vshll.u32 v7, $0x7;
	v12 =	vld [tilespmem:s14+$0x20];
	v6 =	vor.u32 v1, v6  }
0x4c: {  	v13 =	vld [tilespmem:s14+$0xFFFFFFC0];
	v7 =	vor.u32 v1, v7;
	v8 =	vshll.u32 v8, $0x7  }
0x4d: {  	v8 =	vor.u32 v1, v8;
	v9 =	vshll.u32 v9, $0x7;
	[tilespmem:v5+s9+$0x0] =	vst.idx.add.f32.msk $0xffff, v2  }
0x4e: {  	v9 =	vor.u32 v1, v9;
	v5 =	vshll.u32 v10, $0x7;
	[tilespmem:v3+s9+$0x0] =	vst.idx.add.f32.msk $0xffff, v2  }
0x4f: {  	v10 =	vor.u32 v1, v5;
	v3 =	vshll.u32 v11, $0x7;
	[tilespmem:v4+s9+$0x0] =	vst.idx.add.f32.msk $0xffff, v2  }
.Ltmp0:
0x50: {  	v3 =	vor.u32 v1, v3;
	v4 =	vshll.u32 v12, $0x7;
	[tilespmem:v6+s9+$0x0] =	vst.idx.add.f32.msk $0xffff, v2;
	(pc) =	sbr.rel @p0 .LBB2_2-.Ltmp0, $4  }
0x51: {  	v5 =	vshll.u32 v13, $0x7;
	[tilespmem:v7+s9+$0x0] =	vst.idx.add.f32.msk $0xffff, v2;
	v4 =	vor.u32 v1, v4  }
0x52: {  	v5 =	vor.u32 v1, v5;
	[tilespmem:v8+s9+$0x0] =	vst.idx.add.f32.msk $0xffff, v2  }
0x53: {  	[tilespmem:v9+s9+$0x0] =	vst.idx.add.f32.msk $0xffff, v2  }
0x54: {  	s14 =	sadd.s32 $0x80, s14;
	[tilespmem:v10+s9+$0x0] =	vst.idx.add.f32.msk $0xffff, v2  }
0x55: {  	_ =	sdelay $0x3  }
0x56: {  	[tilespmem:v5+s9+$0x0] =	vst.idx.add.f32.msk $0xffff, v2  }
0x57: {  	[tilespmem:v3+s9+$0x0] =	vst.idx.add.f32.msk $0xffff, v2  }
0x58: {  	[tilespmem:v4+s9+$0x0] =	vst.idx.add.f32.msk $0xffff, v2  }
0x59: {  	_ =	swait.ge [sflag:s10], $0x8000  }
0x5a: {  	[sflag:s10] =	ssyncset.done $0x0  }
0x5b: {  	s14 =	simm.s32 $0x8040;
	[sflag:s10] =	ssyncadd.s32 $0xFFFF8000  }
0x5c: {  	v3 =	vld [tilespmem:s14+$0xFFFFFFC0];
	_ =	sdelay $0x1  }
0x5d: {  	v4 =	vld [tilespmem:s14+$0xFFFFFFD0];
	_ =	sdelay $0x1  }
0x5e: {  	v5 =	vld [tilespmem:s14+$0xFFFFFFE0]  }
0x5f: {  	v6 =	vmul.f32 v3, v3  }
0x60: {  	v7 =	vimm.f32 $0.0e+00;
	v8 =	vld [tilespmem:s14+$0xFFFFFFF0]  }
0x61: {  	v3 =	vadd.f32 v3, v7;
	v6 =	vadd.f32 v6, v7;
	v7 =	vmul.f32 v4, v4;
	_ =	sdelay $0x1  }
0x62: {  	v9 =	vld [tilespmem:s14+$0x0];
	v4 =	vadd.f32 v4, v3;
	v6 =	vadd.f32 v7, v6;
	v7 =	vmul.f32 v5, v5;
	_ =	sdelay $0x1  }
0x63: {  	v3 =	vld [tilespmem:s14+$0x10];
	v4 =	vadd.f32 v5, v4;
	v5 =	vadd.f32 v7, v6;
	v6 =	vmul.f32 v8, v8;
	_ =	sdelay $0x1  }
0x64: {  	v7 =	vadd.f32 v8, v4;
	v8 =	vadd.f32 v6, v5;
	v5 =	vld [tilespmem:s14+$0x20]  }
0x65: {  	v10 =	vmul.f32 v9, v9  }
0x66: {  	v4 =	vld [tilespmem:s14+$0x30]  }
0x67: {  	s13 =	simm.s32 $0x0;
	v6 =	vadd.f32 v9, v7;
	s14 =	simm.s32 $0x80C0;
	v7 =	vadd.f32 v10, v8;
	v8 =	vmul.f32 v3, v3  }
.LBB2_4:
0x68: {  	v9 =	vld [tilespmem:s14+$0xFFFFFFC0];
	s13 =	sadd.s32 $0x8, s13  }
0x69: {  	p0 =	slt.u32 s13, $0x7F8;
	v3 =	vadd.f32 v3, v6;
	v6 =	vadd.f32 v8, v7;
	v7 =	vmul.f32 v5, v5  }
0x6a: {  	v8 =	vld [tilespmem:s14+$0xFFFFFFD0]  }
0x6b: {  	v3 =	vadd.f32 v5, v3;
	v5 =	vadd.f32 v7, v6;
	v6 =	vmul.f32 v4, v4  }
0x6c: {  	v7 =	vld [tilespmem:s14+$0xFFFFFFE0]  }
0x6d: {  	v10 =	vmul.f32 v9, v9;
	v3 =	vadd.f32 v4, v3;
	v4 =	vadd.f32 v6, v5  }
0x6e: {  	v6 =	vld [tilespmem:s14+$0xFFFFFFF0]  }
0x6f: {  	v3 =	vadd.f32 v9, v3;
	v4 =	vadd.f32 v10, v4;
	v5 =	vmul.f32 v8, v8  }
0x70: {  	v9 =	vld [tilespmem:s14+$0x0]  }
0x71: {  	v8 =	vadd.f32 v8, v3;
	v4 =	vadd.f32 v5, v4;
	v5 =	vmul.f32 v7, v7  }
0x72: {  	v3 =	vld [tilespmem:s14+$0x10]  }
.Ltmp1:
0x73: {  	v7 =	vadd.f32 v7, v8;
	v4 =	vadd.f32 v5, v4;
	v8 =	vmul.f32 v6, v6;
	(pc) =	sbr.rel @p0 .LBB2_4-.Ltmp1, $4  }
0x74: {  	v5 =	vld [tilespmem:s14+$0x20]  }
0x75: {  	v6 =	vadd.f32 v6, v7;
	v7 =	vadd.f32 v8, v4;
	v8 =	vmul.f32 v9, v9  }
0x76: {  	v4 =	vld [tilespmem:s14+$0x30]  }
0x77: {  	s14 =	sadd.s32 $0x80, s14;
	v6 =	vadd.f32 v9, v6;
	v7 =	vadd.f32 v8, v7;
	v8 =	vmul.f32 v3, v3  }
0x78: {  	_ = 	snop  }
0x79: {  	v3 =	vadd.f32 v3, v6  }
0x7a: {  	v59 =	vadd.f32 v8, v7;
	v60 =	vmul.f32 v5, v5  }
0x7b: {  	v3 =	vadd.f32 v5, v3  }
0x7c: {  	v61 =	vadd.f32 v60, v59;
	v62 =	vmul.f32 v4, v4  }
0x7d: {  	v3 =	vadd.f32 v4, v3  }
0x7e: {  	s12 =	sadd.s32 $0x1, s12;
	v63 =	vadd.f32 v62, v61  }
0x7f: {  	p0 =	sne.s32 s12, s6;
	[tilespmem:$0x11000] =	vst v3  }
.Ltmp2:
0x80: {  	[tilespmem:$0x11080] =	vst v63;
	(pc) =	sbr.rel @p0 .LBB2_1-.Ltmp2, $4  }
0x81: {  	[hbm4b:s5+s2] =	stream.linear.scatter [tilespmem:s9], [sflag:$0x3], $0x1100, $0x38;
	[tilespmem:$0x11400] =	vst v63  }
0x82: {  	_ =	swait.ge [sflag:s11], $0x1100  }
0x83: {  	[sflag:s11] =	ssyncset.done $0x0  }
0x84: {  	[sflag:s11] =	ssyncadd.s32 $0xFFFFEF00  }
0x85: {  	_ =	sfence.sel $0x180000  }
0x86: {  	[bflag:$0x0] =	sbarrier.arrive $0xFFFF  }
0x87: {  	p0 =	sne.s32 s0, $0x0;
	_ =	strace $0x90000047  }
0x88: {  	s0 =	sadd.s32 @!p0 $0x100000, s1;
	[bflag:$0x2] =	sbarrier.arrive $0xFFFF  }
0x89: {  	[sflag:s0] =	ssyncadd.tile.s32 @!p0 $0x1;
	_ =	shalt  }
.Lfunc_end2:
_tile_overlayer_lowered:
.L_overlay_start_2:
0x8a: {  	(tag) =	ssettag $0x2  }
0x8b: {  	s0 =	rddreg [dreg:$0x0];
	s2 =	stileid.u32  }
0x8c: {  	s1 =	rddreg [dreg:$0x1];
	p0 =	sne.s32 s2, $0x0  }
0x8d: {  	s3 =	rddreg [dreg:$0x2];
	[bflag:$0x3] =	sbarrier.arrive $0xFFFF;
	s2 =	simm.s32 @!p0 $0x1C03  }
0x8e: {  	[timem:s3], [sflag:s2] =	dma.local @!p0 [hbm:s0], s1  }
0x8f: {  	s0 =	simm.s32 @!p0 $0x3  }
0x90: {  	_ =	swait.ge @!p0 [sflag:s0], s1  }
0x91: {  	s1 =	ssub.s32 @!p0 $0x0, s1;
	[sflag:s0] =	ssyncset.done @!p0 $0x0  }
0x92: {  	[sflag:s0] =	ssyncadd.s32 @!p0 s1  }
0x93: {  	[bflag:$0x3] =	sbarrier.arrive $0xFFFF  }
0x94: {  	_ =	shalt  }

</sc_bundles>
